<compile_context>
chip_gen: v7x
topology: tpu7x:2x2x1
jax: 0.10.2.dev20260603
libtpu: 0.0.44.dev20260713+nightly
codegen_flags: <defaults>
</compile_context>

<pallas_src>
import functools

import jax
import jax.numpy as jnp
from jax import lax
from jax.experimental import pallas as pl
from jax.experimental.pallas import tpu as pltpu
from jax.experimental.pallas import tpu_sc as plsc

N_NODES = 10000
N_EDGES = 320000
N_REL = 24
DIM = 128
N_BLK = 8
BLK = 16

M_TILE = 10000
M_TILES = N_NODES // M_TILE

NC = 2
NS = 16
NW = NC * NS
EPW = N_EDGES // NW
CHUNK = 80
NCHUNKS = EPW // CHUNK
NBUF = 3
MAIN = (NCHUNKS // NBUF) * NBUF


def _transform_body(x_ref, blocks_ref, y_ref, xb_ref, w_ref):
    m = pl.program_id(0)
    r = pl.program_id(1)

    @pl.when((m == 0) & (r == 0))
    def _():
        w_ref[...] = jnp.zeros_like(w_ref)
        xb_ref[...] = x_ref[...].astype(jnp.bfloat16)

    for b in range(N_BLK):
        w_ref[b * BLK:(b + 1) * BLK, b * BLK:(b + 1) * BLK] = (
            blocks_ref[0, b].astype(jnp.bfloat16))
    y_ref[...] = jnp.dot(xb_ref[...], w_ref[...],
                         preferred_element_type=jnp.float32)


def _transform(x, blocks, *, interpret=False):
    return pl.pallas_call(
        _transform_body,
        grid=(M_TILES, N_REL),
        in_specs=[
            pl.BlockSpec((M_TILE, DIM), lambda m, r: (m, 0)),
            pl.BlockSpec((1, N_BLK, BLK, BLK), lambda m, r: (r, 0, 0, 0)),
        ],
        out_specs=pl.BlockSpec((M_TILE, DIM), lambda m, r: (r * M_TILES + m, 0)),
        out_shape=jax.ShapeDtypeStruct((N_REL * N_NODES, DIM), jnp.float32),
        scratch_shapes=[pltpu.VMEM((M_TILE, DIM), jnp.bfloat16),
                        pltpu.VMEM((DIM, DIM), jnp.bfloat16)],
        interpret=interpret,
    )(x, blocks)


def _sc_body(y_hbm, gidx_hbm, tgt_hbm, zeros_hbm, out_hbm,
             idx_v, tgt_v, rows_v, acc_sh, sems, tsems):
    cid = lax.axis_index("c")
    sid = lax.axis_index("s")
    wid = cid * NS + sid

    zrows = N_NODES // 10
    row0 = sid * zrows

    @pl.when(sid < 10)
    def _():
        pltpu.sync_copy(zeros_hbm, acc_sh.at[pl.ds(row0, zrows)])

    pltpu.sync_copy(gidx_hbm.at[pl.ds(wid * EPW, EPW)], idx_v)
    plsc.subcore_barrier()

    def fire(b, c):
        pltpu.async_copy(tgt_hbm.at[pl.ds(wid * EPW + c * CHUNK, CHUNK)],
                         tgt_v.at[b], tsems[b])
        pltpu.async_copy(y_hbm.at[idx_v.at[pl.ds(c * CHUNK, CHUNK)]],
                         rows_v.at[b], sems[b])

    def drain(b, c):
        pltpu.make_async_copy(tgt_hbm.at[pl.ds(wid * EPW + c * CHUNK, CHUNK)],
                              tgt_v.at[b], tsems[b]).wait()
        pltpu.make_async_copy(y_hbm.at[idx_v.at[pl.ds(c * CHUNK, CHUNK)]],
                              rows_v.at[b], sems[b]).wait()
        pltpu.sync_copy(rows_v.at[b], acc_sh.at[tgt_v.at[b]], add=True)

    for b in range(NBUF):
        fire(b, b)

    def group(g, _):
        for b in range(NBUF):
            c = g * NBUF + b
            drain(b, c)
            nc = c + NBUF

            @pl.when(nc < NCHUNKS)
            def _():
                fire(b, nc)

        return ()

    lax.fori_loop(0, NCHUNKS // NBUF, group, ())
    for c in range(MAIN, NCHUNKS):
        drain(c % NBUF, c)

    plsc.subcore_barrier()

    @pl.when(sid < 10)
    def _():
        pltpu.sync_copy(acc_sh.at[pl.ds(row0, zrows)],
                        out_hbm.at[cid, pl.ds(row0, zrows)])


def _sc_scatter(y, gidx, target, zeros):
    mesh = plsc.VectorSubcoreMesh(core_axis_name="c", subcore_axis_name="s")
    k = functools.partial(
        pl.kernel,
        out_type=jax.ShapeDtypeStruct((NC, N_NODES, DIM), jnp.float32),
        mesh=mesh,
        scratch_types=[
            pltpu.VMEM((EPW,), jnp.int32),
            pltpu.VMEM((NBUF, CHUNK), jnp.int32),
            pltpu.VMEM((NBUF, CHUNK, DIM), jnp.float32),
            pltpu.VMEM_SHARED((N_NODES, DIM), jnp.float32),
            [pltpu.SemaphoreType.DMA] * NBUF,
            [pltpu.SemaphoreType.DMA] * NBUF,
        ],
    )(_sc_body)
    return k(y, gidx, target, zeros)


def _combine_body(p_ref, o_ref):
    o_ref[...] = p_ref[0] + p_ref[1]


def _combine(partials, *, interpret=False):
    return pl.pallas_call(
        _combine_body,
        grid=(M_TILES,),
        in_specs=[pl.BlockSpec((NC, M_TILE, DIM), lambda i: (0, i, 0))],
        out_specs=pl.BlockSpec((M_TILE, DIM), lambda i: (i, 0)),
        out_shape=jax.ShapeDtypeStruct((N_NODES, DIM), jnp.float32),
        interpret=interpret,
    )(partials)


def kernel(x, source, target, edge_type, blocks):
    y = _transform(x, blocks)
    gidx = edge_type * N_NODES + source
    zeros = jnp.zeros((N_NODES // 10, DIM), jnp.float32)
    partials = _sc_scatter(y, gidx, target, zeros)
    return _combine(partials)

# --- scband reference (transcript-rebuilt; emitter-appended) ---
"""Pipeline reference for scband-block-decomposition-88716844466599 (READ-ONLY COPY).

The authoritative reference and input builder live on the scoring server;
editing this copy changes nothing except your own understanding.
"""

import jax, jax.numpy as jnp
import numpy as np

NUM_NODES = 10000
NUM_EDGES = 320000
NUM_RELATIONS = 24
INPUT_DIM = 128
OUTPUT_DIM = 128
NUM_BLOCKS = 8
IN_BLOCK = INPUT_DIM // NUM_BLOCKS
OUT_BLOCK = OUTPUT_DIM // NUM_BLOCKS


def setup_inputs(seed: int = 0) -> dict:
    key = jax.random.key(seed)
    k1, k2, k3, k4, k5 = jax.random.split(key, 5)
    x = jax.random.normal(k1, (NUM_NODES, INPUT_DIM), dtype=jnp.float32)
    source = jax.random.randint(k2, (NUM_EDGES,), 0, NUM_NODES, dtype=jnp.int32)
    target = jax.random.randint(k3, (NUM_EDGES,), 0, NUM_NODES, dtype=jnp.int32)
    edge_type = jax.random.randint(k4, (NUM_EDGES,), 0, NUM_RELATIONS, dtype=jnp.int32)
    # blocks parameter: (num_relations, num_blocks, in_block, out_block),
    # init per BlockDecomposition.reset_parameters: normal(std=gain_relu * block_size**-0.5)
    std = np.sqrt(2.0) * OUT_BLOCK ** -0.5
    blocks = jax.random.normal(k5, (NUM_RELATIONS, NUM_BLOCKS, IN_BLOCK, OUT_BLOCK), dtype=jnp.float32) * std
    return {"x": x, "source": source, "target": target, "edge_type": edge_type, "blocks": blocks}


def reference(x, source, target, edge_type, blocks):
    n = x.shape[0]
    # use_horizontal_stacking(input_dim, output_dim) -> input_dim > output_dim; here 128 > 128 is False,
    # so the vertically stacked path is taken: adj (r*n, n) sparse, spmm(adj, x) then block transform.
    # spmm with edge weight 1.0 == segment-sum of gathered source features into (edge_type*n + target) rows.
    seg = edge_type * n + target  # (E,) row index in vertically stacked adjacency
    msgs = x[source]  # gather: (E, input_dim)
    h = jax.ops.segment_sum(msgs, seg, num_segments=NUM_RELATIONS * n)  # (r*n, input_dim)
    # pad_if_necessary is a no-op (128 divisible by 8)
    h = h.reshape(NUM_RELATIONS, n, NUM_BLOCKS, IN_BLOCK)
    out = jnp.einsum("rnbi,rbij->nbj", h, blocks)
    out = out.reshape(n, NUM_BLOCKS * OUT_BLOCK)
    # unpad_if_necessary is a no-op; no accumulator given
    return out

if __name__ == "__main__":
    import jax
    _d = setup_inputs()
    print(jax.jit(kernel)(*tuple(_d.values())))

</pallas_src>

<mosaic_0001>
#map = affine_map<(d0, d1) -> (0, 0)>
#map1 = affine_map<(d0, d1) -> (0)>
#map2 = affine_map<(d0, d1) -> (0, 0, 0)>
module attributes {stable_mosaic.version = 14 : i64} {
  func.func @_sc_body(%arg0: i32, %arg1: i32, %arg2: memref<240000x128xf32, #tpu.memory_space<hbm>>, %arg3: memref<320000xi32, #tpu.memory_space<hbm>>, %arg4: memref<320000xi32, #tpu.memory_space<hbm>>, %arg5: memref<1000x128xf32, #tpu.memory_space<hbm>>, %arg6: memref<2x10000x128xf32, #tpu.memory_space<hbm>>, %arg7: memref<10000xi32, #tpu.memory_space<vmem>>, %arg8: memref<3x80xi32, #tpu.memory_space<vmem>>, %arg9: memref<3x80x128xf32, #tpu.memory_space<vmem>>, %arg10: memref<10000x128xf32, #tpu.memory_space<vmem_shared>>, %arg11: memref<!tpu.dma_semaphore, #tpu.memory_space<semaphore_mem>>, %arg12: memref<!tpu.dma_semaphore, #tpu.memory_space<semaphore_mem>>, %arg13: memref<!tpu.dma_semaphore, #tpu.memory_space<semaphore_mem>>, %arg14: memref<!tpu.dma_semaphore, #tpu.memory_space<semaphore_mem>>, %arg15: memref<!tpu.dma_semaphore, #tpu.memory_space<semaphore_mem>>, %arg16: memref<!tpu.dma_semaphore, #tpu.memory_space<semaphore_mem>>) attributes {dimension_semantics = [#tpu.dimension_semantics<core_parallel>, #tpu.dimension_semantics<subcore_parallel>], iteration_bounds = array<i64: 2, 16>, scalar_prefetch = 0 : i64, scratch_operands = 10 : i64, tpu.core_type = #tpu.core_type<sc_vector_subcore>, window_params = [{transform_indices = #map}, {transform_indices = #map1}, {transform_indices = #map1}, {transform_indices = #map}, {transform_indices = #map2}]} {
    %mul3A = arith.constant 16 : i32
    %mul3A_0 = arith.muli %arg0, %mul3A : i32
    %add3A = arith.addi %mul3A_0, %arg1 : i32
    %mul3A_1 = arith.constant 1000 : i32
    %mul3A_2 = arith.muli %arg1, %mul3A_1 : i32
    %lt3A = arith.constant 10 : i32
    %lt3A_3 = arith.cmpi slt, %arg1, %lt3A : i32
    %convert_element_type3A = arith.extui %lt3A_3 : i1 to i32
    %cond3A = arith.constant 0 : i32
    %cond3A_4 = arith.cmpi ne, %convert_element_type3A, %cond3A : i32
    scf.if %cond3A_4 {
      "tpu.region"() ({
        %run_scoped3A_133 = tpu.sem_alloc : memref<!tpu.dma_semaphore, #tpu.memory_space<semaphore_mem>>
        %dma_start3A_134 = arith.constant 0 : i32
        %dma_start3A_135 = tpu.memref_slice %arg10[%mul3A_2, %dma_start3A_134] : memref<10000x128xf32, #tpu.memory_space<vmem_shared>> -> memref<1000x128xf32, #tpu.memory_space<vmem_shared>>
        tpu.enqueue_dma source(%arg5 : memref<1000x128xf32, #tpu.memory_space<hbm>>) target(%dma_start3A_135 : memref<1000x128xf32, #tpu.memory_space<vmem_shared>>) target_semaphore(%run_scoped3A_133 : memref<!tpu.dma_semaphore, #tpu.memory_space<semaphore_mem>>)
        %dma_wait3A_136 = arith.constant 0 : i32
        %dma_wait3A_137 = tpu.memref_slice %arg10[%mul3A_2, %dma_wait3A_136] : memref<10000x128xf32, #tpu.memory_space<vmem_shared>> -> memref<1000x128xf32, #tpu.memory_space<vmem_shared>>
        tpu.wait_dma2 semaphore(%run_scoped3A_133 : memref<!tpu.dma_semaphore, #tpu.memory_space<semaphore_mem>>) src(%arg5 : memref<1000x128xf32, #tpu.memory_space<hbm>>) dst(%dma_wait3A_137 : memref<1000x128xf32, #tpu.memory_space<vmem_shared>>)
        tpu.yield
      }) : () -> ()
    } else {
    }
    %mul3A_5 = arith.constant 10000 : i32
    %mul3A_6 = arith.muli %add3A, %mul3A_5 : i32
    "tpu.region"() ({
      %run_scoped3A_133 = tpu.sem_alloc : memref<!tpu.dma_semaphore, #tpu.memory_space<semaphore_mem>>
      %dma_start3A_134 = tpu.memref_slice %arg3[%mul3A_6] : memref<320000xi32, #tpu.memory_space<hbm>> -> memref<10000xi32, #tpu.memory_space<hbm>>
      %dma_start3A_135 = tpu.memref_slice %arg3[%mul3A_6] : memref<320000xi32, #tpu.memory_space<hbm>> -> memref<10000xi32, #tpu.memory_space<hbm>>
      tpu.enqueue_dma source(%dma_start3A_135 : memref<10000xi32, #tpu.memory_space<hbm>>) target(%arg7 : memref<10000xi32, #tpu.memory_space<vmem>>) target_semaphore(%run_scoped3A_133 : memref<!tpu.dma_semaphore, #tpu.memory_space<semaphore_mem>>)
      %dma_wait3A_136 = tpu.memref_slice %arg3[%mul3A_6] : memref<320000xi32, #tpu.memory_space<hbm>> -> memref<10000xi32, #tpu.memory_space<hbm>>
      %dma_wait3A_137 = tpu.memref_slice %arg3[%mul3A_6] : memref<320000xi32, #tpu.memory_space<hbm>> -> memref<10000xi32, #tpu.memory_space<hbm>>
      tpu.wait_dma2 semaphore(%run_scoped3A_133 : memref<!tpu.dma_semaphore, #tpu.memory_space<semaphore_mem>>) src(%dma_wait3A_137 : memref<10000xi32, #tpu.memory_space<hbm>>) dst(%arg7 : memref<10000xi32, #tpu.memory_space<vmem>>)
      tpu.yield
    }) : () -> ()
    %barrier3A = arith.constant 0 : index
    tpu.barrier barrier_id(%barrier3A)
    %mul3A_7 = arith.constant 10000 : i32
    %mul3A_8 = arith.muli %add3A, %mul3A_7 : i32
    %add3A_9 = arith.constant 0 : i32
    %add3A_10 = arith.addi %mul3A_8, %add3A_9 : i32
    %dma_start3A = arith.constant 0 : i32
    %dma_start3A_11 = arith.constant 0 : i32
    %dma_start3A_12 = tpu.memref_slice %arg8[%dma_start3A, %dma_start3A_11] : memref<3x80xi32, #tpu.memory_space<vmem>> -> memref<1x80xi32, #tpu.memory_space<vmem>>
    %dma_start3A_13 = tpu.memref_squeeze %dma_start3A_12 : memref<1x80xi32, #tpu.memory_space<vmem>> -> memref<80xi32, #tpu.memory_space<vmem>>
    %dma_start3A_14 = tpu.memref_slice %arg4[%add3A_10] : memref<320000xi32, #tpu.memory_space<hbm>> -> memref<80xi32, #tpu.memory_space<hbm>>
    %dma_start3A_15 = arith.constant 0 : i32
    %dma_start3A_16 = tpu.memref_slice %arg8[%dma_start3A, %dma_start3A_15] : memref<3x80xi32, #tpu.memory_space<vmem>> -> memref<1x80xi32, #tpu.memory_space<vmem>>
    %dma_start3A_17 = tpu.memref_squeeze %dma_start3A_16 : memref<1x80xi32, #tpu.memory_space<vmem>> -> memref<80xi32, #tpu.memory_space<vmem>>
    %dma_start3A_18 = tpu.memref_slice %arg4[%add3A_10] : memref<320000xi32, #tpu.memory_space<hbm>> -> memref<80xi32, #tpu.memory_space<hbm>>
    tpu.enqueue_dma source(%dma_start3A_18 : memref<80xi32, #tpu.memory_space<hbm>>) target(%dma_start3A_17 : memref<80xi32, #tpu.memory_space<vmem>>) target_semaphore(%arg14 : memref<!tpu.dma_semaphore, #tpu.memory_space<semaphore_mem>>)
    %dma_start3A_19 = arith.constant 0 : i32
    %dma_start3A_20 = arith.constant 0 : i32
    %dma_start3A_21 = arith.constant 0 : i32
    %dma_start3A_22 = tpu.memref_slice %arg9[%dma_start3A_19, %dma_start3A_20, %dma_start3A_21] : memref<3x80x128xf32, #tpu.memory_space<vmem>> -> memref<1x80x128xf32, #tpu.memory_space<vmem>>
    %dma_start3A_23 = tpu.memref_squeeze %dma_start3A_22 : memref<1x80x128xf32, #tpu.memory_space<vmem>> -> memref<80x128xf32, #tpu.memory_space<vmem>>
    %dma_start3A_24 = arith.constant 0 : i32
    %dma_start3A_25 = tpu.memref_slice %arg7[%dma_start3A_24] : memref<10000xi32, #tpu.memory_space<vmem>> -> memref<80xi32, #tpu.memory_space<vmem>>
    %dma_start3A_26 = arith.constant 0 : i32
    %dma_start3A_27 = arith.constant 0 : i32
    %dma_start3A_28 = tpu.memref_slice %arg2[%dma_start3A_26, %dma_start3A_27] : memref<240000x128xf32, #tpu.memory_space<hbm>> -> memref<240000x128xf32, #tpu.memory_space<hbm>>
    tpu.enqueue_indirect_dma source(%dma_start3A_28 : memref<240000x128xf32, #tpu.memory_space<hbm>>) target(%dma_start3A_23 : memref<80x128xf32, #tpu.memory_space<vmem>>) offsets(%dma_start3A_25 : memref<80xi32, #tpu.memory_space<vmem>>) semaphore(%arg11 : memref<!tpu.dma_semaphore, #tpu.memory_space<semaphore_mem>>)
    %mul3A_29 = arith.constant 10000 : i32
    %mul3A_30 = arith.muli %add3A, %mul3A_29 : i32
    %add3A_31 = arith.constant 80 : i32
    %add3A_32 = arith.addi %mul3A_30, %add3A_31 : i32
    %dma_start3A_33 = arith.constant 1 : i32
    %dma_start3A_34 = arith.constant 0 : i32
    %dma_start3A_35 = tpu.memref_slice %arg8[%dma_start3A_33, %dma_start3A_34] : memref<3x80xi32, #tpu.memory_space<vmem>> -> memref<1x80xi32, #tpu.memory_space<vmem>>
    %dma_start3A_36 = tpu.memref_squeeze %dma_start3A_35 : memref<1x80xi32, #tpu.memory_space<vmem>> -> memref<80xi32, #tpu.memory_space<vmem>>
    %dma_start3A_37 = tpu.memref_slice %arg4[%add3A_32] : memref<320000xi32, #tpu.memory_space<hbm>> -> memref<80xi32, #tpu.memory_space<hbm>>
    %dma_start3A_38 = arith.constant 0 : i32
    %dma_start3A_39 = tpu.memref_slice %arg8[%dma_start3A_33, %dma_start3A_38] : memref<3x80xi32, #tpu.memory_space<vmem>> -> memref<1x80xi32, #tpu.memory_space<vmem>>
    %dma_start3A_40 = tpu.memref_squeeze %dma_start3A_39 : memref<1x80xi32, #tpu.memory_space<vmem>> -> memref<80xi32, #tpu.memory_space<vmem>>
    %dma_start3A_41 = tpu.memref_slice %arg4[%add3A_32] : memref<320000xi32, #tpu.memory_space<hbm>> -> memref<80xi32, #tpu.memory_space<hbm>>
    tpu.enqueue_dma source(%dma_start3A_41 : memref<80xi32, #tpu.memory_space<hbm>>) target(%dma_start3A_40 : memref<80xi32, #tpu.memory_space<vmem>>) target_semaphore(%arg15 : memref<!tpu.dma_semaphore, #tpu.memory_space<semaphore_mem>>)
    %dma_start3A_42 = arith.constant 1 : i32
    %dma_start3A_43 = arith.constant 0 : i32
    %dma_start3A_44 = arith.constant 0 : i32
    %dma_start3A_45 = tpu.memref_slice %arg9[%dma_start3A_42, %dma_start3A_43, %dma_start3A_44] : memref<3x80x128xf32, #tpu.memory_space<vmem>> -> memref<1x80x128xf32, #tpu.memory_space<vmem>>
    %dma_start3A_46 = tpu.memref_squeeze %dma_start3A_45 : memref<1x80x128xf32, #tpu.memory_space<vmem>> -> memref<80x128xf32, #tpu.memory_space<vmem>>
    %dma_start3A_47 = arith.constant 80 : i32
    %dma_start3A_48 = tpu.memref_slice %arg7[%dma_start3A_47] : memref<10000xi32, #tpu.memory_space<vmem>> -> memref<80xi32, #tpu.memory_space<vmem>>
    %dma_start3A_49 = arith.constant 0 : i32
    %dma_start3A_50 = arith.constant 0 : i32
    %dma_start3A_51 = tpu.memref_slice %arg2[%dma_start3A_49, %dma_start3A_50] : memref<240000x128xf32, #tpu.memory_space<hbm>> -> memref<240000x128xf32, #tpu.memory_space<hbm>>
    tpu.enqueue_indirect_dma source(%dma_start3A_51 : memref<240000x128xf32, #tpu.memory_space<hbm>>) target(%dma_start3A_46 : memref<80x128xf32, #tpu.memory_space<vmem>>) offsets(%dma_start3A_48 : memref<80xi32, #tpu.memory_space<vmem>>) semaphore(%arg12 : memref<!tpu.dma_semaphore, #tpu.memory_space<semaphore_mem>>)
    %mul3A_52 = arith.constant 10000 : i32
    %mul3A_53 = arith.muli %add3A, %mul3A_52 : i32
    %add3A_54 = arith.constant 160 : i32
    %add3A_55 = arith.addi %mul3A_53, %add3A_54 : i32
    %dma_start3A_56 = arith.constant 2 : i32
    %dma_start3A_57 = arith.constant 0 : i32
    %dma_start3A_58 = tpu.memref_slice %arg8[%dma_start3A_56, %dma_start3A_57] : memref<3x80xi32, #tpu.memory_space<vmem>> -> memref<1x80xi32, #tpu.memory_space<vmem>>
    %dma_start3A_59 = tpu.memref_squeeze %dma_start3A_58 : memref<1x80xi32, #tpu.memory_space<vmem>> -> memref<80xi32, #tpu.memory_space<vmem>>
    %dma_start3A_60 = tpu.memref_slice %arg4[%add3A_55] : memref<320000xi32, #tpu.memory_space<hbm>> -> memref<80xi32, #tpu.memory_space<hbm>>
    %dma_start3A_61 = arith.constant 0 : i32
    %dma_start3A_62 = tpu.memref_slice %arg8[%dma_start3A_56, %dma_start3A_61] : memref<3x80xi32, #tpu.memory_space<vmem>> -> memref<1x80xi32, #tpu.memory_space<vmem>>
    %dma_start3A_63 = tpu.memref_squeeze %dma_start3A_62 : memref<1x80xi32, #tpu.memory_space<vmem>> -> memref<80xi32, #tpu.memory_space<vmem>>
    %dma_start3A_64 = tpu.memref_slice %arg4[%add3A_55] : memref<320000xi32, #tpu.memory_space<hbm>> -> memref<80xi32, #tpu.memory_space<hbm>>
    tpu.enqueue_dma source(%dma_start3A_64 : memref<80xi32, #tpu.memory_space<hbm>>) target(%dma_start3A_63 : memref<80xi32, #tpu.memory_space<vmem>>) target_semaphore(%arg16 : memref<!tpu.dma_semaphore, #tpu.memory_space<semaphore_mem>>)
    %dma_start3A_65 = arith.constant 2 : i32
    %dma_start3A_66 = arith.constant 0 : i32
    %dma_start3A_67 = arith.constant 0 : i32
    %dma_start3A_68 = tpu.memref_slice %arg9[%dma_start3A_65, %dma_start3A_66, %dma_start3A_67] : memref<3x80x128xf32, #tpu.memory_space<vmem>> -> memref<1x80x128xf32, #tpu.memory_space<vmem>>
    %dma_start3A_69 = tpu.memref_squeeze %dma_start3A_68 : memref<1x80x128xf32, #tpu.memory_space<vmem>> -> memref<80x128xf32, #tpu.memory_space<vmem>>
    %dma_start3A_70 = arith.constant 160 : i32
    %dma_start3A_71 = tpu.memref_slice %arg7[%dma_start3A_70] : memref<10000xi32, #tpu.memory_space<vmem>> -> memref<80xi32, #tpu.memory_space<vmem>>
    %dma_start3A_72 = arith.constant 0 : i32
    %dma_start3A_73 = arith.constant 0 : i32
    %dma_start3A_74 = tpu.memref_slice %arg2[%dma_start3A_72, %dma_start3A_73] : memref<240000x128xf32, #tpu.memory_space<hbm>> -> memref<240000x128xf32, #tpu.memory_space<hbm>>
    tpu.enqueue_indirect_dma source(%dma_start3A_74 : memref<240000x128xf32, #tpu.memory_space<hbm>>) target(%dma_start3A_69 : memref<80x128xf32, #tpu.memory_space<vmem>>) offsets(%dma_start3A_71 : memref<80xi32, #tpu.memory_space<vmem>>) semaphore(%arg13 : memref<!tpu.dma_semaphore, #tpu.memory_space<semaphore_mem>>)
    %scan3A = arith.constant 0 : i32
    %scan3A_75 = arith.constant 41 : i32
    %scan3A_76 = arith.addi %scan3A, %scan3A_75 : i32
    %scan3A_77 = arith.constant 1 : i32
    scf.for %scan3A_133 = %scan3A to %scan3A_76 step %scan3A_77  : i32 {
      %mul3A_134 = arith.constant 3 : i32
      %mul3A_135 = arith.muli %scan3A_133, %mul3A_134 : i32
      %add3A_136 = arith.constant 0 : i32
      %add3A_137 = arith.addi %mul3A_135, %add3A_136 : i32
      %mul3A_138 = arith.constant 10000 : i32
      %mul3A_139 = arith.muli %add3A, %mul3A_138 : i32
      %mul3A_140 = arith.constant 80 : i32
      %mul3A_141 = arith.muli %add3A_137, %mul3A_140 : i32
      %add3A_142 = arith.addi %mul3A_139, %mul3A_141 : i32
      %dma_wait3A_143 = arith.constant 0 : i32
      %dma_wait3A_144 = arith.constant 0 : i32
      %dma_wait3A_145 = tpu.memref_slice %arg8[%dma_wait3A_143, %dma_wait3A_144] : memref<3x80xi32, #tpu.memory_space<vmem>> -> memref<1x80xi32, #tpu.memory_space<vmem>>
      %dma_wait3A_146 = tpu.memref_squeeze %dma_wait3A_145 : memref<1x80xi32, #tpu.memory_space<vmem>> -> memref<80xi32, #tpu.memory_space<vmem>>
      %dma_wait3A_147 = tpu.memref_slice %arg4[%add3A_142] : memref<320000xi32, #tpu.memory_space<hbm>> -> memref<80xi32, #tpu.memory_space<hbm>>
      %dma_wait3A_148 = arith.constant 0 : i32
      %dma_wait3A_149 = tpu.memref_slice %arg8[%dma_wait3A_143, %dma_wait3A_148] : memref<3x80xi32, #tpu.memory_space<vmem>> -> memref<1x80xi32, #tpu.memory_space<vmem>>
      %dma_wait3A_150 = tpu.memref_squeeze %dma_wait3A_149 : memref<1x80xi32, #tpu.memory_space<vmem>> -> memref<80xi32, #tpu.memory_space<vmem>>
      %dma_wait3A_151 = tpu.memref_slice %arg4[%add3A_142] : memref<320000xi32, #tpu.memory_space<hbm>> -> memref<80xi32, #tpu.memory_space<hbm>>
      tpu.wait_dma2 semaphore(%arg14 : memref<!tpu.dma_semaphore, #tpu.memory_space<semaphore_mem>>) src(%dma_wait3A_151 : memref<80xi32, #tpu.memory_space<hbm>>) dst(%dma_wait3A_150 : memref<80xi32, #tpu.memory_space<vmem>>)
      %mul3A_152 = arith.constant 80 : i32
      %mul3A_153 = arith.muli %add3A_137, %mul3A_152 : i32
      %dma_wait3A_154 = arith.constant 0 : i32
      %dma_wait3A_155 = arith.constant 0 : i32
      %dma_wait3A_156 = arith.constant 0 : i32
      %dma_wait3A_157 = tpu.memref_slice %arg9[%dma_wait3A_154, %dma_wait3A_155, %dma_wait3A_156] : memref<3x80x128xf32, #tpu.memory_space<vmem>> -> memref<1x80x128xf32, #tpu.memory_space<vmem>>
      %dma_wait3A_158 = tpu.memref_squeeze %dma_wait3A_157 : memref<1x80x128xf32, #tpu.memory_space<vmem>> -> memref<80x128xf32, #tpu.memory_space<vmem>>
      %dma_wait3A_159 = tpu.memref_slice %arg7[%mul3A_153] : memref<10000xi32, #tpu.memory_space<vmem>> -> memref<80xi32, #tpu.memory_space<vmem>>
      %dma_wait3A_160 = arith.constant 0 : i32
      %dma_wait3A_161 = arith.constant 0 : i32
      %dma_wait3A_162 = tpu.memref_slice %arg2[%dma_wait3A_160, %dma_wait3A_161] : memref<240000x128xf32, #tpu.memory_space<hbm>> -> memref<240000x128xf32, #tpu.memory_space<hbm>>
      tpu.wait_indirect_dma semaphore(%arg11 : memref<!tpu.dma_semaphore, #tpu.memory_space<semaphore_mem>>) src(%dma_wait3A_162 : memref<240000x128xf32, #tpu.memory_space<hbm>>) dst(%dma_wait3A_158 : memref<80x128xf32, #tpu.memory_space<vmem>>)
      %run_scoped3A_163 = arith.constant 0 : i32
      %run_scoped3A_164 = arith.constant 0 : i32
      "tpu.region"() ({
        %run_scoped3A_248 = tpu.sem_alloc : memref<!tpu.dma_semaphore, #tpu.memory_space<semaphore_mem>>
        %dma_start3A_249 = arith.constant 0 : i32
        %dma_start3A_250 = arith.constant 0 : i32
        %dma_start3A_251 = tpu.memref_slice %arg9[%run_scoped3A_163, %dma_start3A_249, %dma_start3A_250] : memref<3x80x128xf32, #tpu.memory_space<vmem>> -> memref<1x80x128xf32, #tpu.memory_space<vmem>>
        %dma_start3A_252 = tpu.memref_squeeze %dma_start3A_251 : memref<1x80x128xf32, #tpu.memory_space<vmem>> -> memref<80x128xf32, #tpu.memory_space<vmem>>
        %dma_start3A_253 = arith.constant 0 : i32
        %dma_start3A_254 = tpu.memref_slice %arg8[%run_scoped3A_164, %dma_start3A_253] : memref<3x80xi32, #tpu.memory_space<vmem>> -> memref<1x80xi32, #tpu.memory_space<vmem>>
        %dma_start3A_255 = tpu.memref_squeeze %dma_start3A_254 : memref<1x80xi32, #tpu.memory_space<vmem>> -> memref<80xi32, #tpu.memory_space<vmem>>
        %dma_start3A_256 = arith.constant 0 : i32
        %dma_start3A_257 = arith.constant 0 : i32
        %dma_start3A_258 = tpu.memref_slice %arg10[%dma_start3A_256, %dma_start3A_257] : memref<10000x128xf32, #tpu.memory_space<vmem_shared>> -> memref<10000x128xf32, #tpu.memory_space<vmem_shared>>
        tpu.enqueue_indirect_dma source(%dma_start3A_252 : memref<80x128xf32, #tpu.memory_space<vmem>>) target(%dma_start3A_258 : memref<10000x128xf32, #tpu.memory_space<vmem_shared>>) offsets(%dma_start3A_255 : memref<80xi32, #tpu.memory_space<vmem>>) semaphore(%run_scoped3A_248 : memref<!tpu.dma_semaphore, #tpu.memory_space<semaphore_mem>>) {add = true}
        %dma_wait3A_259 = arith.constant 0 : i32
        %dma_wait3A_260 = arith.constant 0 : i32
        %dma_wait3A_261 = tpu.memref_slice %arg9[%run_scoped3A_163, %dma_wait3A_259, %dma_wait3A_260] : memref<3x80x128xf32, #tpu.memory_space<vmem>> -> memref<1x80x128xf32, #tpu.memory_space<vmem>>
        %dma_wait3A_262 = tpu.memref_squeeze %dma_wait3A_261 : memref<1x80x128xf32, #tpu.memory_space<vmem>> -> memref<80x128xf32, #tpu.memory_space<vmem>>
        %dma_wait3A_263 = arith.constant 0 : i32
        %dma_wait3A_264 = tpu.memref_slice %arg8[%run_scoped3A_164, %dma_wait3A_263] : memref<3x80xi32, #tpu.memory_space<vmem>> -> memref<1x80xi32, #tpu.memory_space<vmem>>
        %dma_wait3A_265 = tpu.memref_squeeze %dma_wait3A_264 : memref<1x80xi32, #tpu.memory_space<vmem>> -> memref<80xi32, #tpu.memory_space<vmem>>
        %dma_wait3A_266 = arith.constant 0 : i32
        %dma_wait3A_267 = arith.constant 0 : i32
        %dma_wait3A_268 = tpu.memref_slice %arg10[%dma_wait3A_266, %dma_wait3A_267] : memref<10000x128xf32, #tpu.memory_space<vmem_shared>> -> memref<10000x128xf32, #tpu.memory_space<vmem_shared>>
        tpu.wait_indirect_dma semaphore(%run_scoped3A_248 : memref<!tpu.dma_semaphore, #tpu.memory_space<semaphore_mem>>) src(%dma_wait3A_262 : memref<80x128xf32, #tpu.memory_space<vmem>>) dst(%dma_wait3A_268 : memref<10000x128xf32, #tpu.memory_space<vmem_shared>>)
        tpu.yield
      }) : () -> ()
      %add3A_165 = arith.constant 3 : i32
      %add3A_166 = arith.addi %add3A_137, %add3A_165 : i32
      %lt3A_167 = arith.constant 125 : i32
      %lt3A_168 = arith.cmpi slt, %add3A_166, %lt3A_167 : i32
      %convert_element_type3A_169 = arith.extui %lt3A_168 : i1 to i32
      %cond3A_170 = arith.constant 0 : i32
      %cond3A_171 = arith.cmpi ne, %convert_element_type3A_169, %cond3A_170 : i32
      scf.if %cond3A_171 {
        %mul3A_248 = arith.constant 10000 : i32
        %mul3A_249 = arith.muli %add3A, %mul3A_248 : i32
        %mul3A_250 = arith.constant 80 : i32
        %mul3A_251 = arith.muli %add3A_166, %mul3A_250 : i32
        %add3A_252 = arith.addi %mul3A_249, %mul3A_251 : i32
        %dma_start3A_253 = arith.constant 0 : i32
        %dma_start3A_254 = arith.constant 0 : i32
        %dma_start3A_255 = tpu.memref_slice %arg8[%dma_start3A_253, %dma_start3A_254] : memref<3x80xi32, #tpu.memory_space<vmem>> -> memref<1x80xi32, #tpu.memory_space<vmem>>
        %dma_start3A_256 = tpu.memref_squeeze %dma_start3A_255 : memref<1x80xi32, #tpu.memory_space<vmem>> -> memref<80xi32, #tpu.memory_space<vmem>>
        %dma_start3A_257 = tpu.memref_slice %arg4[%add3A_252] : memref<320000xi32, #tpu.memory_space<hbm>> -> memref<80xi32, #tpu.memory_space<hbm>>
        %dma_start3A_258 = arith.constant 0 : i32
        %dma_start3A_259 = tpu.memref_slice %arg8[%dma_start3A_253, %dma_start3A_258] : memref<3x80xi32, #tpu.memory_space<vmem>> -> memref<1x80xi32, #tpu.memory_space<vmem>>
        %dma_start3A_260 = tpu.memref_squeeze %dma_start3A_259 : memref<1x80xi32, #tpu.memory_space<vmem>> -> memref<80xi32, #tpu.memory_space<vmem>>
        %dma_start3A_261 = tpu.memref_slice %arg4[%add3A_252] : memref<320000xi32, #tpu.memory_space<hbm>> -> memref<80xi32, #tpu.memory_space<hbm>>
        tpu.enqueue_dma source(%dma_start3A_261 : memref<80xi32, #tpu.memory_space<hbm>>) target(%dma_start3A_260 : memref<80xi32, #tpu.memory_space<vmem>>) target_semaphore(%arg14 : memref<!tpu.dma_semaphore, #tpu.memory_space<semaphore_mem>>)
        %mul3A_262 = arith.constant 80 : i32
        %mul3A_263 = arith.muli %add3A_166, %mul3A_262 : i32
        %dma_start3A_264 = arith.constant 0 : i32
        %dma_start3A_265 = arith.constant 0 : i32
        %dma_start3A_266 = arith.constant 0 : i32
        %dma_start3A_267 = tpu.memref_slice %arg9[%dma_start3A_264, %dma_start3A_265, %dma_start3A_266] : memref<3x80x128xf32, #tpu.memory_space<vmem>> -> memref<1x80x128xf32, #tpu.memory_space<vmem>>
        %dma_start3A_268 = tpu.memref_squeeze %dma_start3A_267 : memref<1x80x128xf32, #tpu.memory_space<vmem>> -> memref<80x128xf32, #tpu.memory_space<vmem>>
        %dma_start3A_269 = tpu.memref_slice %arg7[%mul3A_263] : memref<10000xi32, #tpu.memory_space<vmem>> -> memref<80xi32, #tpu.memory_space<vmem>>
        %dma_start3A_270 = arith.constant 0 : i32
        %dma_start3A_271 = arith.constant 0 : i32
        %dma_start3A_272 = tpu.memref_slice %arg2[%dma_start3A_270, %dma_start3A_271] : memref<240000x128xf32, #tpu.memory_space<hbm>> -> memref<240000x128xf32, #tpu.memory_space<hbm>>
        tpu.enqueue_indirect_dma source(%dma_start3A_272 : memref<240000x128xf32, #tpu.memory_space<hbm>>) target(%dma_start3A_268 : memref<80x128xf32, #tpu.memory_space<vmem>>) offsets(%dma_start3A_269 : memref<80xi32, #tpu.memory_space<vmem>>) semaphore(%arg11 : memref<!tpu.dma_semaphore, #tpu.memory_space<semaphore_mem>>)
      } else {
      }
      %mul3A_172 = arith.constant 3 : i32
      %mul3A_173 = arith.muli %scan3A_133, %mul3A_172 : i32
      %add3A_174 = arith.constant 1 : i32
      %add3A_175 = arith.addi %mul3A_173, %add3A_174 : i32
      %mul3A_176 = arith.constant 10000 : i32
      %mul3A_177 = arith.muli %add3A, %mul3A_176 : i32
      %mul3A_178 = arith.constant 80 : i32
      %mul3A_179 = arith.muli %add3A_175, %mul3A_178 : i32
      %add3A_180 = arith.addi %mul3A_177, %mul3A_179 : i32
      %dma_wait3A_181 = arith.constant 1 : i32
      %dma_wait3A_182 = arith.constant 0 : i32
      %dma_wait3A_183 = tpu.memref_slice %arg8[%dma_wait3A_181, %dma_wait3A_182] : memref<3x80xi32, #tpu.memory_space<vmem>> -> memref<1x80xi32, #tpu.memory_space<vmem>>
      %dma_wait3A_184 = tpu.memref_squeeze %dma_wait3A_183 : memref<1x80xi32, #tpu.memory_space<vmem>> -> memref<80xi32, #tpu.memory_space<vmem>>
      %dma_wait3A_185 = tpu.memref_slice %arg4[%add3A_180] : memref<320000xi32, #tpu.memory_space<hbm>> -> memref<80xi32, #tpu.memory_space<hbm>>
      %dma_wait3A_186 = arith.constant 0 : i32
      %dma_wait3A_187 = tpu.memref_slice %arg8[%dma_wait3A_181, %dma_wait3A_186] : memref<3x80xi32, #tpu.memory_space<vmem>> -> memref<1x80xi32, #tpu.memory_space<vmem>>
      %dma_wait3A_188 = tpu.memref_squeeze %dma_wait3A_187 : memref<1x80xi32, #tpu.memory_space<vmem>> -> memref<80xi32, #tpu.memory_space<vmem>>
      %dma_wait3A_189 = tpu.memref_slice %arg4[%add3A_180] : memref<320000xi32, #tpu.memory_space<hbm>> -> memref<80xi32, #tpu.memory_space<hbm>>
      tpu.wait_dma2 semaphore(%arg15 : memref<!tpu.dma_semaphore, #tpu.memory_space<semaphore_mem>>) src(%dma_wait3A_189 : memref<80xi32, #tpu.memory_space<hbm>>) dst(%dma_wait3A_188 : memref<80xi32, #tpu.memory_space<vmem>>)
      %mul3A_190 = arith.constant 80 : i32
      %mul3A_191 = arith.muli %add3A_175, %mul3A_190 : i32
      %dma_wait3A_192 = arith.constant 1 : i32
      %dma_wait3A_193 = arith.constant 0 : i32
      %dma_wait3A_194 = arith.constant 0 : i32
      %dma_wait3A_195 = tpu.memref_slice %arg9[%dma_wait3A_192, %dma_wait3A_193, %dma_wait3A_194] : memref<3x80x128xf32, #tpu.memory_space<vmem>> -> memref<1x80x128xf32, #tpu.memory_space<vmem>>
      %dma_wait3A_196 = tpu.memref_squeeze %dma_wait3A_195 : memref<1x80x128xf32, #tpu.memory_space<vmem>> -> memref<80x128xf32, #tpu.memory_space<vmem>>
      %dma_wait3A_197 = tpu.memref_slice %arg7[%mul3A_191] : memref<10000xi32, #tpu.memory_space<vmem>> -> memref<80xi32, #tpu.memory_space<vmem>>
      %dma_wait3A_198 = arith.constant 0 : i32
      %dma_wait3A_199 = arith.constant 0 : i32
      %dma_wait3A_200 = tpu.memref_slice %arg2[%dma_wait3A_198, %dma_wait3A_199] : memref<240000x128xf32, #tpu.memory_space<hbm>> -> memref<240000x128xf32, #tpu.memory_space<hbm>>
      tpu.wait_indirect_dma semaphore(%arg12 : memref<!tpu.dma_semaphore, #tpu.memory_space<semaphore_mem>>) src(%dma_wait3A_200 : memref<240000x128xf32, #tpu.memory_space<hbm>>) dst(%dma_wait3A_196 : memref<80x128xf32, #tpu.memory_space<vmem>>)
      %run_scoped3A_201 = arith.constant 1 : i32
      %run_scoped3A_202 = arith.constant 1 : i32
      "tpu.region"() ({
        %run_scoped3A_248 = tpu.sem_alloc : memref<!tpu.dma_semaphore, #tpu.memory_space<semaphore_mem>>
        %dma_start3A_249 = arith.constant 0 : i32
        %dma_start3A_250 = arith.constant 0 : i32
        %dma_start3A_251 = tpu.memref_slice %arg9[%run_scoped3A_201, %dma_start3A_249, %dma_start3A_250] : memref<3x80x128xf32, #tpu.memory_space<vmem>> -> memref<1x80x128xf32, #tpu.memory_space<vmem>>
        %dma_start3A_252 = tpu.memref_squeeze %dma_start3A_251 : memref<1x80x128xf32, #tpu.memory_space<vmem>> -> memref<80x128xf32, #tpu.memory_space<vmem>>
        %dma_start3A_253 = arith.constant 0 : i32
        %dma_start3A_254 = tpu.memref_slice %arg8[%run_scoped3A_202, %dma_start3A_253] : memref<3x80xi32, #tpu.memory_space<vmem>> -> memref<1x80xi32, #tpu.memory_space<vmem>>
        %dma_start3A_255 = tpu.memref_squeeze %dma_start3A_254 : memref<1x80xi32, #tpu.memory_space<vmem>> -> memref<80xi32, #tpu.memory_space<vmem>>
        %dma_start3A_256 = arith.constant 0 : i32
        %dma_start3A_257 = arith.constant 0 : i32
        %dma_start3A_258 = tpu.memref_slice %arg10[%dma_start3A_256, %dma_start3A_257] : memref<10000x128xf32, #tpu.memory_space<vmem_shared>> -> memref<10000x128xf32, #tpu.memory_space<vmem_shared>>
        tpu.enqueue_indirect_dma source(%dma_start3A_252 : memref<80x128xf32, #tpu.memory_space<vmem>>) target(%dma_start3A_258 : memref<10000x128xf32, #tpu.memory_space<vmem_shared>>) offsets(%dma_start3A_255 : memref<80xi32, #tpu.memory_space<vmem>>) semaphore(%run_scoped3A_248 : memref<!tpu.dma_semaphore, #tpu.memory_space<semaphore_mem>>) {add = true}
        %dma_wait3A_259 = arith.constant 0 : i32
        %dma_wait3A_260 = arith.constant 0 : i32
        %dma_wait3A_261 = tpu.memref_slice %arg9[%run_scoped3A_201, %dma_wait3A_259, %dma_wait3A_260] : memref<3x80x128xf32, #tpu.memory_space<vmem>> -> memref<1x80x128xf32, #tpu.memory_space<vmem>>
        %dma_wait3A_262 = tpu.memref_squeeze %dma_wait3A_261 : memref<1x80x128xf32, #tpu.memory_space<vmem>> -> memref<80x128xf32, #tpu.memory_space<vmem>>
        %dma_wait3A_263 = arith.constant 0 : i32
        %dma_wait3A_264 = tpu.memref_slice %arg8[%run_scoped3A_202, %dma_wait3A_263] : memref<3x80xi32, #tpu.memory_space<vmem>> -> memref<1x80xi32, #tpu.memory_space<vmem>>
        %dma_wait3A_265 = tpu.memref_squeeze %dma_wait3A_264 : memref<1x80xi32, #tpu.memory_space<vmem>> -> memref<80xi32, #tpu.memory_space<vmem>>
        %dma_wait3A_266 = arith.constant 0 : i32
        %dma_wait3A_267 = arith.constant 0 : i32
        %dma_wait3A_268 = tpu.memref_slice %arg10[%dma_wait3A_266, %dma_wait3A_267] : memref<10000x128xf32, #tpu.memory_space<vmem_shared>> -> memref<10000x128xf32, #tpu.memory_space<vmem_shared>>
        tpu.wait_indirect_dma semaphore(%run_scoped3A_248 : memref<!tpu.dma_semaphore, #tpu.memory_space<semaphore_mem>>) src(%dma_wait3A_262 : memref<80x128xf32, #tpu.memory_space<vmem>>) dst(%dma_wait3A_268 : memref<10000x128xf32, #tpu.memory_space<vmem_shared>>)
        tpu.yield
      }) : () -> ()
      %add3A_203 = arith.constant 3 : i32
      %add3A_204 = arith.addi %add3A_175, %add3A_203 : i32
      %lt3A_205 = arith.constant 125 : i32
      %lt3A_206 = arith.cmpi slt, %add3A_204, %lt3A_205 : i32
      %convert_element_type3A_207 = arith.extui %lt3A_206 : i1 to i32
      %cond3A_208 = arith.constant 0 : i32
      %cond3A_209 = arith.cmpi ne, %convert_element_type3A_207, %cond3A_208 : i32
      scf.if %cond3A_209 {
        %mul3A_248 = arith.constant 10000 : i32
        %mul3A_249 = arith.muli %add3A, %mul3A_248 : i32
        %mul3A_250 = arith.constant 80 : i32
        %mul3A_251 = arith.muli %add3A_204, %mul3A_250 : i32
        %add3A_252 = arith.addi %mul3A_249, %mul3A_251 : i32
        %dma_start3A_253 = arith.constant 1 : i32
        %dma_start3A_254 = arith.constant 0 : i32
        %dma_start3A_255 = tpu.memref_slice %arg8[%dma_start3A_253, %dma_start3A_254] : memref<3x80xi32, #tpu.memory_space<vmem>> -> memref<1x80xi32, #tpu.memory_space<vmem>>
        %dma_start3A_256 = tpu.memref_squeeze %dma_start3A_255 : memref<1x80xi32, #tpu.memory_space<vmem>> -> memref<80xi32, #tpu.memory_space<vmem>>
        %dma_start3A_257 = tpu.memref_slice %arg4[%add3A_252] : memref<320000xi32, #tpu.memory_space<hbm>> -> memref<80xi32, #tpu.memory_space<hbm>>
        %dma_start3A_258 = arith.constant 0 : i32
        %dma_start3A_259 = tpu.memref_slice %arg8[%dma_start3A_253, %dma_start3A_258] : memref<3x80xi32, #tpu.memory_space<vmem>> -> memref<1x80xi32, #tpu.memory_space<vmem>>
        %dma_start3A_260 = tpu.memref_squeeze %dma_start3A_259 : memref<1x80xi32, #tpu.memory_space<vmem>> -> memref<80xi32, #tpu.memory_space<vmem>>
        %dma_start3A_261 = tpu.memref_slice %arg4[%add3A_252] : memref<320000xi32, #tpu.memory_space<hbm>> -> memref<80xi32, #tpu.memory_space<hbm>>
        tpu.enqueue_dma source(%dma_start3A_261 : memref<80xi32, #tpu.memory_space<hbm>>) target(%dma_start3A_260 : memref<80xi32, #tpu.memory_space<vmem>>) target_semaphore(%arg15 : memref<!tpu.dma_semaphore, #tpu.memory_space<semaphore_mem>>)
        %mul3A_262 = arith.constant 80 : i32
        %mul3A_263 = arith.muli %add3A_204, %mul3A_262 : i32
        %dma_start3A_264 = arith.constant 1 : i32
        %dma_start3A_265 = arith.constant 0 : i32
        %dma_start3A_266 = arith.constant 0 : i32
        %dma_start3A_267 = tpu.memref_slice %arg9[%dma_start3A_264, %dma_start3A_265, %dma_start3A_266] : memref<3x80x128xf32, #tpu.memory_space<vmem>> -> memref<1x80x128xf32, #tpu.memory_space<vmem>>
        %dma_start3A_268 = tpu.memref_squeeze %dma_start3A_267 : memref<1x80x128xf32, #tpu.memory_space<vmem>> -> memref<80x128xf32, #tpu.memory_space<vmem>>
        %dma_start3A_269 = tpu.memref_slice %arg7[%mul3A_263] : memref<10000xi32, #tpu.memory_space<vmem>> -> memref<80xi32, #tpu.memory_space<vmem>>
        %dma_start3A_270 = arith.constant 0 : i32
        %dma_start3A_271 = arith.constant 0 : i32
        %dma_start3A_272 = tpu.memref_slice %arg2[%dma_start3A_270, %dma_start3A_271] : memref<240000x128xf32, #tpu.memory_space<hbm>> -> memref<240000x128xf32, #tpu.memory_space<hbm>>
        tpu.enqueue_indirect_dma source(%dma_start3A_272 : memref<240000x128xf32, #tpu.memory_space<hbm>>) target(%dma_start3A_268 : memref<80x128xf32, #tpu.memory_space<vmem>>) offsets(%dma_start3A_269 : memref<80xi32, #tpu.memory_space<vmem>>) semaphore(%arg12 : memref<!tpu.dma_semaphore, #tpu.memory_space<semaphore_mem>>)
      } else {
      }
      %mul3A_210 = arith.constant 3 : i32
      %mul3A_211 = arith.muli %scan3A_133, %mul3A_210 : i32
      %add3A_212 = arith.constant 2 : i32
      %add3A_213 = arith.addi %mul3A_211, %add3A_212 : i32
      %mul3A_214 = arith.constant 10000 : i32
      %mul3A_215 = arith.muli %add3A, %mul3A_214 : i32
      %mul3A_216 = arith.constant 80 : i32
      %mul3A_217 = arith.muli %add3A_213, %mul3A_216 : i32
      %add3A_218 = arith.addi %mul3A_215, %mul3A_217 : i32
      %dma_wait3A_219 = arith.constant 2 : i32
      %dma_wait3A_220 = arith.constant 0 : i32
      %dma_wait3A_221 = tpu.memref_slice %arg8[%dma_wait3A_219, %dma_wait3A_220] : memref<3x80xi32, #tpu.memory_space<vmem>> -> memref<1x80xi32, #tpu.memory_space<vmem>>
      %dma_wait3A_222 = tpu.memref_squeeze %dma_wait3A_221 : memref<1x80xi32, #tpu.memory_space<vmem>> -> memref<80xi32, #tpu.memory_space<vmem>>
      %dma_wait3A_223 = tpu.memref_slice %arg4[%add3A_218] : memref<320000xi32, #tpu.memory_space<hbm>> -> memref<80xi32, #tpu.memory_space<hbm>>
      %dma_wait3A_224 = arith.constant 0 : i32
      %dma_wait3A_225 = tpu.memref_slice %arg8[%dma_wait3A_219, %dma_wait3A_224] : memref<3x80xi32, #tpu.memory_space<vmem>> -> memref<1x80xi32, #tpu.memory_space<vmem>>
      %dma_wait3A_226 = tpu.memref_squeeze %dma_wait3A_225 : memref<1x80xi32, #tpu.memory_space<vmem>> -> memref<80xi32, #tpu.memory_space<vmem>>
      %dma_wait3A_227 = tpu.memref_slice %arg4[%add3A_218] : memref<320000xi32, #tpu.memory_space<hbm>> -> memref<80xi32, #tpu.memory_space<hbm>>
      tpu.wait_dma2 semaphore(%arg16 : memref<!tpu.dma_semaphore, #tpu.memory_space<semaphore_mem>>) src(%dma_wait3A_227 : memref<80xi32, #tpu.memory_space<hbm>>) dst(%dma_wait3A_226 : memref<80xi32, #tpu.memory_space<vmem>>)
      %mul3A_228 = arith.constant 80 : i32
      %mul3A_229 = arith.muli %add3A_213, %mul3A_228 : i32
      %dma_wait3A_230 = arith.constant 2 : i32
      %dma_wait3A_231 = arith.constant 0 : i32
      %dma_wait3A_232 = arith.constant 0 : i32
      %dma_wait3A_233 = tpu.memref_slice %arg9[%dma_wait3A_230, %dma_wait3A_231, %dma_wait3A_232] : memref<3x80x128xf32, #tpu.memory_space<vmem>> -> memref<1x80x128xf32, #tpu.memory_space<vmem>>
      %dma_wait3A_234 = tpu.memref_squeeze %dma_wait3A_233 : memref<1x80x128xf32, #tpu.memory_space<vmem>> -> memref<80x128xf32, #tpu.memory_space<vmem>>
      %dma_wait3A_235 = tpu.memref_slice %arg7[%mul3A_229] : memref<10000xi32, #tpu.memory_space<vmem>> -> memref<80xi32, #tpu.memory_space<vmem>>
      %dma_wait3A_236 = arith.constant 0 : i32
      %dma_wait3A_237 = arith.constant 0 : i32
      %dma_wait3A_238 = tpu.memref_slice %arg2[%dma_wait3A_236, %dma_wait3A_237] : memref<240000x128xf32, #tpu.memory_space<hbm>> -> memref<240000x128xf32, #tpu.memory_space<hbm>>
      tpu.wait_indirect_dma semaphore(%arg13 : memref<!tpu.dma_semaphore, #tpu.memory_space<semaphore_mem>>) src(%dma_wait3A_238 : memref<240000x128xf32, #tpu.memory_space<hbm>>) dst(%dma_wait3A_234 : memref<80x128xf32, #tpu.memory_space<vmem>>)
      %run_scoped3A_239 = arith.constant 2 : i32
      %run_scoped3A_240 = arith.constant 2 : i32
      "tpu.region"() ({
        %run_scoped3A_248 = tpu.sem_alloc : memref<!tpu.dma_semaphore, #tpu.memory_space<semaphore_mem>>
        %dma_start3A_249 = arith.constant 0 : i32
        %dma_start3A_250 = arith.constant 0 : i32
        %dma_start3A_251 = tpu.memref_slice %arg9[%run_scoped3A_239, %dma_start3A_249, %dma_start3A_250] : memref<3x80x128xf32, #tpu.memory_space<vmem>> -> memref<1x80x128xf32, #tpu.memory_space<vmem>>
        %dma_start3A_252 = tpu.memref_squeeze %dma_start3A_251 : memref<1x80x128xf32, #tpu.memory_space<vmem>> -> memref<80x128xf32, #tpu.memory_space<vmem>>
        %dma_start3A_253 = arith.constant 0 : i32
        %dma_start3A_254 = tpu.memref_slice %arg8[%run_scoped3A_240, %dma_start3A_253] : memref<3x80xi32, #tpu.memory_space<vmem>> -> memref<1x80xi32, #tpu.memory_space<vmem>>
        %dma_start3A_255 = tpu.memref_squeeze %dma_start3A_254 : memref<1x80xi32, #tpu.memory_space<vmem>> -> memref<80xi32, #tpu.memory_space<vmem>>
        %dma_start3A_256 = arith.constant 0 : i32
        %dma_start3A_257 = arith.constant 0 : i32
        %dma_start3A_258 = tpu.memref_slice %arg10[%dma_start3A_256, %dma_start3A_257] : memref<10000x128xf32, #tpu.memory_space<vmem_shared>> -> memref<10000x128xf32, #tpu.memory_space<vmem_shared>>
        tpu.enqueue_indirect_dma source(%dma_start3A_252 : memref<80x128xf32, #tpu.memory_space<vmem>>) target(%dma_start3A_258 : memref<10000x128xf32, #tpu.memory_space<vmem_shared>>) offsets(%dma_start3A_255 : memref<80xi32, #tpu.memory_space<vmem>>) semaphore(%run_scoped3A_248 : memref<!tpu.dma_semaphore, #tpu.memory_space<semaphore_mem>>) {add = true}
        %dma_wait3A_259 = arith.constant 0 : i32
        %dma_wait3A_260 = arith.constant 0 : i32
        %dma_wait3A_261 = tpu.memref_slice %arg9[%run_scoped3A_239, %dma_wait3A_259, %dma_wait3A_260] : memref<3x80x128xf32, #tpu.memory_space<vmem>> -> memref<1x80x128xf32, #tpu.memory_space<vmem>>
        %dma_wait3A_262 = tpu.memref_squeeze %dma_wait3A_261 : memref<1x80x128xf32, #tpu.memory_space<vmem>> -> memref<80x128xf32, #tpu.memory_space<vmem>>
        %dma_wait3A_263 = arith.constant 0 : i32
        %dma_wait3A_264 = tpu.memref_slice %arg8[%run_scoped3A_240, %dma_wait3A_263] : memref<3x80xi32, #tpu.memory_space<vmem>> -> memref<1x80xi32, #tpu.memory_space<vmem>>
        %dma_wait3A_265 = tpu.memref_squeeze %dma_wait3A_264 : memref<1x80xi32, #tpu.memory_space<vmem>> -> memref<80xi32, #tpu.memory_space<vmem>>
        %dma_wait3A_266 = arith.constant 0 : i32
        %dma_wait3A_267 = arith.constant 0 : i32
        %dma_wait3A_268 = tpu.memref_slice %arg10[%dma_wait3A_266, %dma_wait3A_267] : memref<10000x128xf32, #tpu.memory_space<vmem_shared>> -> memref<10000x128xf32, #tpu.memory_space<vmem_shared>>
        tpu.wait_indirect_dma semaphore(%run_scoped3A_248 : memref<!tpu.dma_semaphore, #tpu.memory_space<semaphore_mem>>) src(%dma_wait3A_262 : memref<80x128xf32, #tpu.memory_space<vmem>>) dst(%dma_wait3A_268 : memref<10000x128xf32, #tpu.memory_space<vmem_shared>>)
        tpu.yield
      }) : () -> ()
      %add3A_241 = arith.constant 3 : i32
      %add3A_242 = arith.addi %add3A_213, %add3A_241 : i32
      %lt3A_243 = arith.constant 125 : i32
      %lt3A_244 = arith.cmpi slt, %add3A_242, %lt3A_243 : i32
      %convert_element_type3A_245 = arith.extui %lt3A_244 : i1 to i32
      %cond3A_246 = arith.constant 0 : i32
      %cond3A_247 = arith.cmpi ne, %convert_element_type3A_245, %cond3A_246 : i32
      scf.if %cond3A_247 {
        %mul3A_248 = arith.constant 10000 : i32
        %mul3A_249 = arith.muli %add3A, %mul3A_248 : i32
        %mul3A_250 = arith.constant 80 : i32
        %mul3A_251 = arith.muli %add3A_242, %mul3A_250 : i32
        %add3A_252 = arith.addi %mul3A_249, %mul3A_251 : i32
        %dma_start3A_253 = arith.constant 2 : i32
        %dma_start3A_254 = arith.constant 0 : i32
        %dma_start3A_255 = tpu.memref_slice %arg8[%dma_start3A_253, %dma_start3A_254] : memref<3x80xi32, #tpu.memory_space<vmem>> -> memref<1x80xi32, #tpu.memory_space<vmem>>
        %dma_start3A_256 = tpu.memref_squeeze %dma_start3A_255 : memref<1x80xi32, #tpu.memory_space<vmem>> -> memref<80xi32, #tpu.memory_space<vmem>>
        %dma_start3A_257 = tpu.memref_slice %arg4[%add3A_252] : memref<320000xi32, #tpu.memory_space<hbm>> -> memref<80xi32, #tpu.memory_space<hbm>>
        %dma_start3A_258 = arith.constant 0 : i32
        %dma_start3A_259 = tpu.memref_slice %arg8[%dma_start3A_253, %dma_start3A_258] : memref<3x80xi32, #tpu.memory_space<vmem>> -> memref<1x80xi32, #tpu.memory_space<vmem>>
        %dma_start3A_260 = tpu.memref_squeeze %dma_start3A_259 : memref<1x80xi32, #tpu.memory_space<vmem>> -> memref<80xi32, #tpu.memory_space<vmem>>
        %dma_start3A_261 = tpu.memref_slice %arg4[%add3A_252] : memref<320000xi32, #tpu.memory_space<hbm>> -> memref<80xi32, #tpu.memory_space<hbm>>
        tpu.enqueue_dma source(%dma_start3A_261 : memref<80xi32, #tpu.memory_space<hbm>>) target(%dma_start3A_260 : memref<80xi32, #tpu.memory_space<vmem>>) target_semaphore(%arg16 : memref<!tpu.dma_semaphore, #tpu.memory_space<semaphore_mem>>)
        %mul3A_262 = arith.constant 80 : i32
        %mul3A_263 = arith.muli %add3A_242, %mul3A_262 : i32
        %dma_start3A_264 = arith.constant 2 : i32
        %dma_start3A_265 = arith.constant 0 : i32
        %dma_start3A_266 = arith.constant 0 : i32
        %dma_start3A_267 = tpu.memref_slice %arg9[%dma_start3A_264, %dma_start3A_265, %dma_start3A_266] : memref<3x80x128xf32, #tpu.memory_space<vmem>> -> memref<1x80x128xf32, #tpu.memory_space<vmem>>
        %dma_start3A_268 = tpu.memref_squeeze %dma_start3A_267 : memref<1x80x128xf32, #tpu.memory_space<vmem>> -> memref<80x128xf32, #tpu.memory_space<vmem>>
        %dma_start3A_269 = tpu.memref_slice %arg7[%mul3A_263] : memref<10000xi32, #tpu.memory_space<vmem>> -> memref<80xi32, #tpu.memory_space<vmem>>
        %dma_start3A_270 = arith.constant 0 : i32
        %dma_start3A_271 = arith.constant 0 : i32
        %dma_start3A_272 = tpu.memref_slice %arg2[%dma_start3A_270, %dma_start3A_271] : memref<240000x128xf32, #tpu.memory_space<hbm>> -> memref<240000x128xf32, #tpu.memory_space<hbm>>
        tpu.enqueue_indirect_dma source(%dma_start3A_272 : memref<240000x128xf32, #tpu.memory_space<hbm>>) target(%dma_start3A_268 : memref<80x128xf32, #tpu.memory_space<vmem>>) offsets(%dma_start3A_269 : memref<80xi32, #tpu.memory_space<vmem>>) semaphore(%arg13 : memref<!tpu.dma_semaphore, #tpu.memory_space<semaphore_mem>>)
      } else {
      }
    }
    %scan3A_78 = arith.constant 41 : i32
    %mul3A_79 = arith.constant 10000 : i32
    %mul3A_80 = arith.muli %add3A, %mul3A_79 : i32
    %add3A_81 = arith.constant 9840 : i32
    %add3A_82 = arith.addi %mul3A_80, %add3A_81 : i32
    %dma_wait3A = arith.constant 0 : i32
    %dma_wait3A_83 = arith.constant 0 : i32
    %dma_wait3A_84 = tpu.memref_slice %arg8[%dma_wait3A, %dma_wait3A_83] : memref<3x80xi32, #tpu.memory_space<vmem>> -> memref<1x80xi32, #tpu.memory_space<vmem>>
    %dma_wait3A_85 = tpu.memref_squeeze %dma_wait3A_84 : memref<1x80xi32, #tpu.memory_space<vmem>> -> memref<80xi32, #tpu.memory_space<vmem>>
    %dma_wait3A_86 = tpu.memref_slice %arg4[%add3A_82] : memref<320000xi32, #tpu.memory_space<hbm>> -> memref<80xi32, #tpu.memory_space<hbm>>
    %dma_wait3A_87 = arith.constant 0 : i32
    %dma_wait3A_88 = tpu.memref_slice %arg8[%dma_wait3A, %dma_wait3A_87] : memref<3x80xi32, #tpu.memory_space<vmem>> -> memref<1x80xi32, #tpu.memory_space<vmem>>
    %dma_wait3A_89 = tpu.memref_squeeze %dma_wait3A_88 : memref<1x80xi32, #tpu.memory_space<vmem>> -> memref<80xi32, #tpu.memory_space<vmem>>
    %dma_wait3A_90 = tpu.memref_slice %arg4[%add3A_82] : memref<320000xi32, #tpu.memory_space<hbm>> -> memref<80xi32, #tpu.memory_space<hbm>>
    tpu.wait_dma2 semaphore(%arg14 : memref<!tpu.dma_semaphore, #tpu.memory_space<semaphore_mem>>) src(%dma_wait3A_90 : memref<80xi32, #tpu.memory_space<hbm>>) dst(%dma_wait3A_89 : memref<80xi32, #tpu.memory_space<vmem>>)
    %dma_wait3A_91 = arith.constant 0 : i32
    %dma_wait3A_92 = arith.constant 0 : i32
    %dma_wait3A_93 = arith.constant 0 : i32
    %dma_wait3A_94 = tpu.memref_slice %arg9[%dma_wait3A_91, %dma_wait3A_92, %dma_wait3A_93] : memref<3x80x128xf32, #tpu.memory_space<vmem>> -> memref<1x80x128xf32, #tpu.memory_space<vmem>>
    %dma_wait3A_95 = tpu.memref_squeeze %dma_wait3A_94 : memref<1x80x128xf32, #tpu.memory_space<vmem>> -> memref<80x128xf32, #tpu.memory_space<vmem>>
    %dma_wait3A_96 = arith.constant 9840 : i32
    %dma_wait3A_97 = tpu.memref_slice %arg7[%dma_wait3A_96] : memref<10000xi32, #tpu.memory_space<vmem>> -> memref<80xi32, #tpu.memory_space<vmem>>
    %dma_wait3A_98 = arith.constant 0 : i32
    %dma_wait3A_99 = arith.constant 0 : i32
    %dma_wait3A_100 = tpu.memref_slice %arg2[%dma_wait3A_98, %dma_wait3A_99] : memref<240000x128xf32, #tpu.memory_space<hbm>> -> memref<240000x128xf32, #tpu.memory_space<hbm>>
    tpu.wait_indirect_dma semaphore(%arg11 : memref<!tpu.dma_semaphore, #tpu.memory_space<semaphore_mem>>) src(%dma_wait3A_100 : memref<240000x128xf32, #tpu.memory_space<hbm>>) dst(%dma_wait3A_95 : memref<80x128xf32, #tpu.memory_space<vmem>>)
    %run_scoped3A = arith.constant 0 : i32
    %run_scoped3A_101 = arith.constant 0 : i32
    "tpu.region"() ({
      %run_scoped3A_133 = tpu.sem_alloc : memref<!tpu.dma_semaphore, #tpu.memory_space<semaphore_mem>>
      %dma_start3A_134 = arith.constant 0 : i32
      %dma_start3A_135 = arith.constant 0 : i32
      %dma_start3A_136 = tpu.memref_slice %arg9[%run_scoped3A, %dma_start3A_134, %dma_start3A_135] : memref<3x80x128xf32, #tpu.memory_space<vmem>> -> memref<1x80x128xf32, #tpu.memory_space<vmem>>
      %dma_start3A_137 = tpu.memref_squeeze %dma_start3A_136 : memref<1x80x128xf32, #tpu.memory_space<vmem>> -> memref<80x128xf32, #tpu.memory_space<vmem>>
      %dma_start3A_138 = arith.constant 0 : i32
      %dma_start3A_139 = tpu.memref_slice %arg8[%run_scoped3A_101, %dma_start3A_138] : memref<3x80xi32, #tpu.memory_space<vmem>> -> memref<1x80xi32, #tpu.memory_space<vmem>>
      %dma_start3A_140 = tpu.memref_squeeze %dma_start3A_139 : memref<1x80xi32, #tpu.memory_space<vmem>> -> memref<80xi32, #tpu.memory_space<vmem>>
      %dma_start3A_141 = arith.constant 0 : i32
      %dma_start3A_142 = arith.constant 0 : i32
      %dma_start3A_143 = tpu.memref_slice %arg10[%dma_start3A_141, %dma_start3A_142] : memref<10000x128xf32, #tpu.memory_space<vmem_shared>> -> memref<10000x128xf32, #tpu.memory_space<vmem_shared>>
      tpu.enqueue_indirect_dma source(%dma_start3A_137 : memref<80x128xf32, #tpu.memory_space<vmem>>) target(%dma_start3A_143 : memref<10000x128xf32, #tpu.memory_space<vmem_shared>>) offsets(%dma_start3A_140 : memref<80xi32, #tpu.memory_space<vmem>>) semaphore(%run_scoped3A_133 : memref<!tpu.dma_semaphore, #tpu.memory_space<semaphore_mem>>) {add = true}
      %dma_wait3A_144 = arith.constant 0 : i32
      %dma_wait3A_145 = arith.constant 0 : i32
      %dma_wait3A_146 = tpu.memref_slice %arg9[%run_scoped3A, %dma_wait3A_144, %dma_wait3A_145] : memref<3x80x128xf32, #tpu.memory_space<vmem>> -> memref<1x80x128xf32, #tpu.memory_space<vmem>>
      %dma_wait3A_147 = tpu.memref_squeeze %dma_wait3A_146 : memref<1x80x128xf32, #tpu.memory_space<vmem>> -> memref<80x128xf32, #tpu.memory_space<vmem>>
      %dma_wait3A_148 = arith.constant 0 : i32
      %dma_wait3A_149 = tpu.memref_slice %arg8[%run_scoped3A_101, %dma_wait3A_148] : memref<3x80xi32, #tpu.memory_space<vmem>> -> memref<1x80xi32, #tpu.memory_space<vmem>>
      %dma_wait3A_150 = tpu.memref_squeeze %dma_wait3A_149 : memref<1x80xi32, #tpu.memory_space<vmem>> -> memref<80xi32, #tpu.memory_space<vmem>>
      %dma_wait3A_151 = arith.constant 0 : i32
      %dma_wait3A_152 = arith.constant 0 : i32
      %dma_wait3A_153 = tpu.memref_slice %arg10[%dma_wait3A_151, %dma_wait3A_152] : memref<10000x128xf32, #tpu.memory_space<vmem_shared>> -> memref<10000x128xf32, #tpu.memory_space<vmem_shared>>
      tpu.wait_indirect_dma semaphore(%run_scoped3A_133 : memref<!tpu.dma_semaphore, #tpu.memory_space<semaphore_mem>>) src(%dma_wait3A_147 : memref<80x128xf32, #tpu.memory_space<vmem>>) dst(%dma_wait3A_153 : memref<10000x128xf32, #tpu.memory_space<vmem_shared>>)
      tpu.yield
    }) : () -> ()
    %mul3A_102 = arith.constant 10000 : i32
    %mul3A_103 = arith.muli %add3A, %mul3A_102 : i32
    %add3A_104 = arith.constant 9920 : i32
    %add3A_105 = arith.addi %mul3A_103, %add3A_104 : i32
    %dma_wait3A_106 = arith.constant 1 : i32
    %dma_wait3A_107 = arith.constant 0 : i32
    %dma_wait3A_108 = tpu.memref_slice %arg8[%dma_wait3A_106, %dma_wait3A_107] : memref<3x80xi32, #tpu.memory_space<vmem>> -> memref<1x80xi32, #tpu.memory_space<vmem>>
    %dma_wait3A_109 = tpu.memref_squeeze %dma_wait3A_108 : memref<1x80xi32, #tpu.memory_space<vmem>> -> memref<80xi32, #tpu.memory_space<vmem>>
    %dma_wait3A_110 = tpu.memref_slice %arg4[%add3A_105] : memref<320000xi32, #tpu.memory_space<hbm>> -> memref<80xi32, #tpu.memory_space<hbm>>
    %dma_wait3A_111 = arith.constant 0 : i32
    %dma_wait3A_112 = tpu.memref_slice %arg8[%dma_wait3A_106, %dma_wait3A_111] : memref<3x80xi32, #tpu.memory_space<vmem>> -> memref<1x80xi32, #tpu.memory_space<vmem>>
    %dma_wait3A_113 = tpu.memref_squeeze %dma_wait3A_112 : memref<1x80xi32, #tpu.memory_space<vmem>> -> memref<80xi32, #tpu.memory_space<vmem>>
    %dma_wait3A_114 = tpu.memref_slice %arg4[%add3A_105] : memref<320000xi32, #tpu.memory_space<hbm>> -> memref<80xi32, #tpu.memory_space<hbm>>
    tpu.wait_dma2 semaphore(%arg15 : memref<!tpu.dma_semaphore, #tpu.memory_space<semaphore_mem>>) src(%dma_wait3A_114 : memref<80xi32, #tpu.memory_space<hbm>>) dst(%dma_wait3A_113 : memref<80xi32, #tpu.memory_space<vmem>>)
    %dma_wait3A_115 = arith.constant 1 : i32
    %dma_wait3A_116 = arith.constant 0 : i32
    %dma_wait3A_117 = arith.constant 0 : i32
    %dma_wait3A_118 = tpu.memref_slice %arg9[%dma_wait3A_115, %dma_wait3A_116, %dma_wait3A_117] : memref<3x80x128xf32, #tpu.memory_space<vmem>> -> memref<1x80x128xf32, #tpu.memory_space<vmem>>
    %dma_wait3A_119 = tpu.memref_squeeze %dma_wait3A_118 : memref<1x80x128xf32, #tpu.memory_space<vmem>> -> memref<80x128xf32, #tpu.memory_space<vmem>>
    %dma_wait3A_120 = arith.constant 9920 : i32
    %dma_wait3A_121 = tpu.memref_slice %arg7[%dma_wait3A_120] : memref<10000xi32, #tpu.memory_space<vmem>> -> memref<80xi32, #tpu.memory_space<vmem>>
    %dma_wait3A_122 = arith.constant 0 : i32
    %dma_wait3A_123 = arith.constant 0 : i32
    %dma_wait3A_124 = tpu.memref_slice %arg2[%dma_wait3A_122, %dma_wait3A_123] : memref<240000x128xf32, #tpu.memory_space<hbm>> -> memref<240000x128xf32, #tpu.memory_space<hbm>>
    tpu.wait_indirect_dma semaphore(%arg12 : memref<!tpu.dma_semaphore, #tpu.memory_space<semaphore_mem>>) src(%dma_wait3A_124 : memref<240000x128xf32, #tpu.memory_space<hbm>>) dst(%dma_wait3A_119 : memref<80x128xf32, #tpu.memory_space<vmem>>)
    %run_scoped3A_125 = arith.constant 1 : i32
    %run_scoped3A_126 = arith.constant 1 : i32
    "tpu.region"() ({
      %run_scoped3A_133 = tpu.sem_alloc : memref<!tpu.dma_semaphore, #tpu.memory_space<semaphore_mem>>
      %dma_start3A_134 = arith.constant 0 : i32
      %dma_start3A_135 = arith.constant 0 : i32
      %dma_start3A_136 = tpu.memref_slice %arg9[%run_scoped3A_125, %dma_start3A_134, %dma_start3A_135] : memref<3x80x128xf32, #tpu.memory_space<vmem>> -> memref<1x80x128xf32, #tpu.memory_space<vmem>>
      %dma_start3A_137 = tpu.memref_squeeze %dma_start3A_136 : memref<1x80x128xf32, #tpu.memory_space<vmem>> -> memref<80x128xf32, #tpu.memory_space<vmem>>
      %dma_start3A_138 = arith.constant 0 : i32
      %dma_start3A_139 = tpu.memref_slice %arg8[%run_scoped3A_126, %dma_start3A_138] : memref<3x80xi32, #tpu.memory_space<vmem>> -> memref<1x80xi32, #tpu.memory_space<vmem>>
      %dma_start3A_140 = tpu.memref_squeeze %dma_start3A_139 : memref<1x80xi32, #tpu.memory_space<vmem>> -> memref<80xi32, #tpu.memory_space<vmem>>
      %dma_start3A_141 = arith.constant 0 : i32
      %dma_start3A_142 = arith.constant 0 : i32
      %dma_start3A_143 = tpu.memref_slice %arg10[%dma_start3A_141, %dma_start3A_142] : memref<10000x128xf32, #tpu.memory_space<vmem_shared>> -> memref<10000x128xf32, #tpu.memory_space<vmem_shared>>
      tpu.enqueue_indirect_dma source(%dma_start3A_137 : memref<80x128xf32, #tpu.memory_space<vmem>>) target(%dma_start3A_143 : memref<10000x128xf32, #tpu.memory_space<vmem_shared>>) offsets(%dma_start3A_140 : memref<80xi32, #tpu.memory_space<vmem>>) semaphore(%run_scoped3A_133 : memref<!tpu.dma_semaphore, #tpu.memory_space<semaphore_mem>>) {add = true}
      %dma_wait3A_144 = arith.constant 0 : i32
      %dma_wait3A_145 = arith.constant 0 : i32
      %dma_wait3A_146 = tpu.memref_slice %arg9[%run_scoped3A_125, %dma_wait3A_144, %dma_wait3A_145] : memref<3x80x128xf32, #tpu.memory_space<vmem>> -> memref<1x80x128xf32, #tpu.memory_space<vmem>>
      %dma_wait3A_147 = tpu.memref_squeeze %dma_wait3A_146 : memref<1x80x128xf32, #tpu.memory_space<vmem>> -> memref<80x128xf32, #tpu.memory_space<vmem>>
      %dma_wait3A_148 = arith.constant 0 : i32
      %dma_wait3A_149 = tpu.memref_slice %arg8[%run_scoped3A_126, %dma_wait3A_148] : memref<3x80xi32, #tpu.memory_space<vmem>> -> memref<1x80xi32, #tpu.memory_space<vmem>>
      %dma_wait3A_150 = tpu.memref_squeeze %dma_wait3A_149 : memref<1x80xi32, #tpu.memory_space<vmem>> -> memref<80xi32, #tpu.memory_space<vmem>>
      %dma_wait3A_151 = arith.constant 0 : i32
      %dma_wait3A_152 = arith.constant 0 : i32
      %dma_wait3A_153 = tpu.memref_slice %arg10[%dma_wait3A_151, %dma_wait3A_152] : memref<10000x128xf32, #tpu.memory_space<vmem_shared>> -> memref<10000x128xf32, #tpu.memory_space<vmem_shared>>
      tpu.wait_indirect_dma semaphore(%run_scoped3A_133 : memref<!tpu.dma_semaphore, #tpu.memory_space<semaphore_mem>>) src(%dma_wait3A_147 : memref<80x128xf32, #tpu.memory_space<vmem>>) dst(%dma_wait3A_153 : memref<10000x128xf32, #tpu.memory_space<vmem_shared>>)
      tpu.yield
    }) : () -> ()
    %barrier3A_127 = arith.constant 0 : index
    tpu.barrier barrier_id(%barrier3A_127)
    %lt3A_128 = arith.constant 10 : i32
    %lt3A_129 = arith.cmpi slt, %arg1, %lt3A_128 : i32
    %convert_element_type3A_130 = arith.extui %lt3A_129 : i1 to i32
    %cond3A_131 = arith.constant 0 : i32
    %cond3A_132 = arith.cmpi ne, %convert_element_type3A_130, %cond3A_131 : i32
    scf.if %cond3A_132 {
      "tpu.region"() ({
        %run_scoped3A_133 = tpu.sem_alloc : memref<!tpu.dma_semaphore, #tpu.memory_space<semaphore_mem>>
        %dma_start3A_134 = arith.constant 0 : i32
        %dma_start3A_135 = tpu.memref_slice %arg6[%arg0, %mul3A_2, %dma_start3A_134] : memref<2x10000x128xf32, #tpu.memory_space<hbm>> -> memref<1x1000x128xf32, #tpu.memory_space<hbm>>
        %dma_start3A_136 = tpu.memref_squeeze %dma_start3A_135 : memref<1x1000x128xf32, #tpu.memory_space<hbm>> -> memref<1000x128xf32, #tpu.memory_space<hbm>>
        %dma_start3A_137 = arith.constant 0 : i32
        %dma_start3A_138 = tpu.memref_slice %arg10[%mul3A_2, %dma_start3A_137] : memref<10000x128xf32, #tpu.memory_space<vmem_shared>> -> memref<1000x128xf32, #tpu.memory_space<vmem_shared>>
        tpu.enqueue_dma source(%dma_start3A_138 : memref<1000x128xf32, #tpu.memory_space<vmem_shared>>) target(%dma_start3A_136 : memref<1000x128xf32, #tpu.memory_space<hbm>>) target_semaphore(%run_scoped3A_133 : memref<!tpu.dma_semaphore, #tpu.memory_space<semaphore_mem>>)
        %dma_wait3A_139 = arith.constant 0 : i32
        %dma_wait3A_140 = tpu.memref_slice %arg6[%arg0, %mul3A_2, %dma_wait3A_139] : memref<2x10000x128xf32, #tpu.memory_space<hbm>> -> memref<1x1000x128xf32, #tpu.memory_space<hbm>>
        %dma_wait3A_141 = tpu.memref_squeeze %dma_wait3A_140 : memref<1x1000x128xf32, #tpu.memory_space<hbm>> -> memref<1000x128xf32, #tpu.memory_space<hbm>>
        %dma_wait3A_142 = arith.constant 0 : i32
        %dma_wait3A_143 = tpu.memref_slice %arg10[%mul3A_2, %dma_wait3A_142] : memref<10000x128xf32, #tpu.memory_space<vmem_shared>> -> memref<1000x128xf32, #tpu.memory_space<vmem_shared>>
        tpu.wait_dma2 semaphore(%run_scoped3A_133 : memref<!tpu.dma_semaphore, #tpu.memory_space<semaphore_mem>>) src(%dma_wait3A_143 : memref<1000x128xf32, #tpu.memory_space<vmem_shared>>) dst(%dma_wait3A_141 : memref<1000x128xf32, #tpu.memory_space<hbm>>)
        tpu.yield
      }) : () -> ()
    } else {
    }
    return
  }
}

module attributes {stable_mosaic.version = 14 : i64} {
  func.func @_transform_body(%arg0: i32, %arg1: i32, %arg2: memref<10000x128xf32, #tpu.memory_space<vmem>>, %arg3: memref<1x8x16x16xf32, #tpu.memory_space<vmem>>, %arg4: memref<10000x128xf32, #tpu.memory_space<vmem>>, %arg5: memref<10000x128xbf16, #tpu.memory_space<vmem>>, %arg6: memref<128x128xbf16, #tpu.memory_space<vmem>>) attributes {dimension_semantics = [#tpu.dimension_semantics<arbitrary>, #tpu.dimension_semantics<arbitrary>], iteration_bounds = array<i64: 1, 24>, scalar_prefetch = 0 : i64, scratch_operands = 2 : i64, tpu.core_type = #tpu.core_type<tc>, window_params = [{transform_indices = @transform_0, window_bounds = array<i64: 10000, 128>}, {transform_indices = @transform_1, window_bounds = array<i64: 1, 8, 16, 16>}, {transform_indices = @transform_2, window_bounds = array<i64: 10000, 128>}]} {
    %eq3A = arith.constant 0 : i32
    %eq3A_0 = arith.cmpi eq, %arg0, %eq3A : i32
    %eq3A_1 = arith.constant 0 : i32
    %eq3A_2 = arith.cmpi eq, %arg1, %eq3A_1 : i32
    %and3A = arith.andi %eq3A_0, %eq3A_2 : i1
    %convert_element_type3A = arith.extui %and3A : i1 to i32
    %cond3A = arith.constant 0 : i32
    %cond3A_3 = arith.cmpi ne, %convert_element_type3A, %cond3A : i32
    scf.if %cond3A_3 {
      %broadcast_in_dim3A = arith.constant 0.000000e+00 : bf16
      %broadcast_in_dim3A_92 = vector.broadcast %broadcast_in_dim3A : bf16 to vector<128x128xbf16>
      %swap3A_93 = arith.constant 0 : index
      %swap3A_94 = arith.constant 0 : index
      %swap3A_95 = vector.load %arg6[%swap3A_93, %swap3A_94] : memref<128x128xbf16, #tpu.memory_space<vmem>>, vector<128x128xbf16>
      tpu.vector_store %arg6[%swap3A_93, %swap3A_94], %broadcast_in_dim3A_92 {strides = array<i32>} : memref<128x128xbf16, #tpu.memory_space<vmem>>, vector<128x128xbf16>,
      %get3A_96 = arith.constant 0 : index
      %get3A_97 = arith.constant 0 : index
      %get3A_98 = vector.load %arg2[%get3A_96, %get3A_97] : memref<10000x128xf32, #tpu.memory_space<vmem>>, vector<10000x128xf32>
      %convert_element_type3A_99 = arith.truncf %get3A_98 : vector<10000x128xf32> to vector<10000x128xbf16>
      %swap3A_100 = arith.constant 0 : index
      %swap3A_101 = arith.constant 0 : index
      %swap3A_102 = vector.load %arg5[%swap3A_100, %swap3A_101] : memref<10000x128xbf16, #tpu.memory_space<vmem>>, vector<10000x128xbf16>
      tpu.vector_store %arg5[%swap3A_100, %swap3A_101], %convert_element_type3A_99 {strides = array<i32>} : memref<10000x128xbf16, #tpu.memory_space<vmem>>, vector<10000x128xbf16>,
    } else {
    }
    %get3A = arith.constant 0 : index
    %get3A_4 = arith.constant 0 : index
    %get3A_5 = arith.constant 0 : index
    %get3A_6 = arith.constant 0 : index
    %get3A_7 = vector.load %arg3[%get3A, %get3A_4, %get3A_5, %get3A_6] : memref<1x8x16x16xf32, #tpu.memory_space<vmem>>, vector<1x1x16x16xf32>
    %get3A_8 = vector.shape_cast %get3A_7 : vector<1x1x16x16xf32> to vector<16x16xf32>
    %convert_element_type3A_9 = arith.truncf %get3A_8 : vector<16x16xf32> to vector<16x16xbf16>
    %swap3A = arith.constant 0 : index
    %swap3A_10 = arith.constant 0 : index
    %swap3A_11 = vector.load %arg6[%swap3A, %swap3A_10] : memref<128x128xbf16, #tpu.memory_space<vmem>>, vector<16x16xbf16>
    tpu.vector_store %arg6[%swap3A, %swap3A_10], %convert_element_type3A_9 {strides = array<i32>} : memref<128x128xbf16, #tpu.memory_space<vmem>>, vector<16x16xbf16>,
    %get3A_12 = arith.constant 0 : index
    %get3A_13 = arith.constant 1 : index
    %get3A_14 = arith.constant 0 : index
    %get3A_15 = arith.constant 0 : index
    %get3A_16 = vector.load %arg3[%get3A_12, %get3A_13, %get3A_14, %get3A_15] : memref<1x8x16x16xf32, #tpu.memory_space<vmem>>, vector<1x1x16x16xf32>
    %get3A_17 = vector.shape_cast %get3A_16 : vector<1x1x16x16xf32> to vector<16x16xf32>
    %convert_element_type3A_18 = arith.truncf %get3A_17 : vector<16x16xf32> to vector<16x16xbf16>
    %swap3A_19 = arith.constant 16 : index
    %swap3A_20 = arith.constant 16 : index
    %swap3A_21 = vector.load %arg6[%swap3A_19, %swap3A_20] : memref<128x128xbf16, #tpu.memory_space<vmem>>, vector<16x16xbf16>
    tpu.vector_store %arg6[%swap3A_19, %swap3A_20], %convert_element_type3A_18 {strides = array<i32>} : memref<128x128xbf16, #tpu.memory_space<vmem>>, vector<16x16xbf16>,
    %get3A_22 = arith.constant 0 : index
    %get3A_23 = arith.constant 2 : index
    %get3A_24 = arith.constant 0 : index
    %get3A_25 = arith.constant 0 : index
    %get3A_26 = vector.load %arg3[%get3A_22, %get3A_23, %get3A_24, %get3A_25] : memref<1x8x16x16xf32, #tpu.memory_space<vmem>>, vector<1x1x16x16xf32>
    %get3A_27 = vector.shape_cast %get3A_26 : vector<1x1x16x16xf32> to vector<16x16xf32>
    %convert_element_type3A_28 = arith.truncf %get3A_27 : vector<16x16xf32> to vector<16x16xbf16>
    %swap3A_29 = arith.constant 32 : index
    %swap3A_30 = arith.constant 32 : index
    %swap3A_31 = vector.load %arg6[%swap3A_29, %swap3A_30] : memref<128x128xbf16, #tpu.memory_space<vmem>>, vector<16x16xbf16>
    tpu.vector_store %arg6[%swap3A_29, %swap3A_30], %convert_element_type3A_28 {strides = array<i32>} : memref<128x128xbf16, #tpu.memory_space<vmem>>, vector<16x16xbf16>,
    %get3A_32 = arith.constant 0 : index
    %get3A_33 = arith.constant 3 : index
    %get3A_34 = arith.constant 0 : index
    %get3A_35 = arith.constant 0 : index
    %get3A_36 = vector.load %arg3[%get3A_32, %get3A_33, %get3A_34, %get3A_35] : memref<1x8x16x16xf32, #tpu.memory_space<vmem>>, vector<1x1x16x16xf32>
    %get3A_37 = vector.shape_cast %get3A_36 : vector<1x1x16x16xf32> to vector<16x16xf32>
    %convert_element_type3A_38 = arith.truncf %get3A_37 : vector<16x16xf32> to vector<16x16xbf16>
    %swap3A_39 = arith.constant 48 : index
    %swap3A_40 = arith.constant 48 : index
    %swap3A_41 = vector.load %arg6[%swap3A_39, %swap3A_40] : memref<128x128xbf16, #tpu.memory_space<vmem>>, vector<16x16xbf16>
    tpu.vector_store %arg6[%swap3A_39, %swap3A_40], %convert_element_type3A_38 {strides = array<i32>} : memref<128x128xbf16, #tpu.memory_space<vmem>>, vector<16x16xbf16>,
    %get3A_42 = arith.constant 0 : index
    %get3A_43 = arith.constant 4 : index
    %get3A_44 = arith.constant 0 : index
    %get3A_45 = arith.constant 0 : index
    %get3A_46 = vector.load %arg3[%get3A_42, %get3A_43, %get3A_44, %get3A_45] : memref<1x8x16x16xf32, #tpu.memory_space<vmem>>, vector<1x1x16x16xf32>
    %get3A_47 = vector.shape_cast %get3A_46 : vector<1x1x16x16xf32> to vector<16x16xf32>
    %convert_element_type3A_48 = arith.truncf %get3A_47 : vector<16x16xf32> to vector<16x16xbf16>
    %swap3A_49 = arith.constant 64 : index
    %swap3A_50 = arith.constant 64 : index
    %swap3A_51 = vector.load %arg6[%swap3A_49, %swap3A_50] : memref<128x128xbf16, #tpu.memory_space<vmem>>, vector<16x16xbf16>
    tpu.vector_store %arg6[%swap3A_49, %swap3A_50], %convert_element_type3A_48 {strides = array<i32>} : memref<128x128xbf16, #tpu.memory_space<vmem>>, vector<16x16xbf16>,
    %get3A_52 = arith.constant 0 : index
    %get3A_53 = arith.constant 5 : index
    %get3A_54 = arith.constant 0 : index
    %get3A_55 = arith.constant 0 : index
    %get3A_56 = vector.load %arg3[%get3A_52, %get3A_53, %get3A_54, %get3A_55] : memref<1x8x16x16xf32, #tpu.memory_space<vmem>>, vector<1x1x16x16xf32>
    %get3A_57 = vector.shape_cast %get3A_56 : vector<1x1x16x16xf32> to vector<16x16xf32>
    %convert_element_type3A_58 = arith.truncf %get3A_57 : vector<16x16xf32> to vector<16x16xbf16>
    %swap3A_59 = arith.constant 80 : index
    %swap3A_60 = arith.constant 80 : index
    %swap3A_61 = vector.load %arg6[%swap3A_59, %swap3A_60] : memref<128x128xbf16, #tpu.memory_space<vmem>>, vector<16x16xbf16>
    tpu.vector_store %arg6[%swap3A_59, %swap3A_60], %convert_element_type3A_58 {strides = array<i32>} : memref<128x128xbf16, #tpu.memory_space<vmem>>, vector<16x16xbf16>,
    %get3A_62 = arith.constant 0 : index
    %get3A_63 = arith.constant 6 : index
    %get3A_64 = arith.constant 0 : index
    %get3A_65 = arith.constant 0 : index
    %get3A_66 = vector.load %arg3[%get3A_62, %get3A_63, %get3A_64, %get3A_65] : memref<1x8x16x16xf32, #tpu.memory_space<vmem>>, vector<1x1x16x16xf32>
    %get3A_67 = vector.shape_cast %get3A_66 : vector<1x1x16x16xf32> to vector<16x16xf32>
    %convert_element_type3A_68 = arith.truncf %get3A_67 : vector<16x16xf32> to vector<16x16xbf16>
    %swap3A_69 = arith.constant 96 : index
    %swap3A_70 = arith.constant 96 : index
    %swap3A_71 = vector.load %arg6[%swap3A_69, %swap3A_70] : memref<128x128xbf16, #tpu.memory_space<vmem>>, vector<16x16xbf16>
    tpu.vector_store %arg6[%swap3A_69, %swap3A_70], %convert_element_type3A_68 {strides = array<i32>} : memref<128x128xbf16, #tpu.memory_space<vmem>>, vector<16x16xbf16>,
    %get3A_72 = arith.constant 0 : index
    %get3A_73 = arith.constant 7 : index
    %get3A_74 = arith.constant 0 : index
    %get3A_75 = arith.constant 0 : index
    %get3A_76 = vector.load %arg3[%get3A_72, %get3A_73, %get3A_74, %get3A_75] : memref<1x8x16x16xf32, #tpu.memory_space<vmem>>, vector<1x1x16x16xf32>
    %get3A_77 = vector.shape_cast %get3A_76 : vector<1x1x16x16xf32> to vector<16x16xf32>
    %convert_element_type3A_78 = arith.truncf %get3A_77 : vector<16x16xf32> to vector<16x16xbf16>
    %swap3A_79 = arith.constant 112 : index
    %swap3A_80 = arith.constant 112 : index
    %swap3A_81 = vector.load %arg6[%swap3A_79, %swap3A_80] : memref<128x128xbf16, #tpu.memory_space<vmem>>, vector<16x16xbf16>
    tpu.vector_store %arg6[%swap3A_79, %swap3A_80], %convert_element_type3A_78 {strides = array<i32>} : memref<128x128xbf16, #tpu.memory_space<vmem>>, vector<16x16xbf16>,
    %get3A_82 = arith.constant 0 : index
    %get3A_83 = arith.constant 0 : index
    %get3A_84 = vector.load %arg5[%get3A_82, %get3A_83] : memref<10000x128xbf16, #tpu.memory_space<vmem>>, vector<10000x128xbf16>
    %get3A_85 = arith.constant 0 : index
    %get3A_86 = arith.constant 0 : index
    %get3A_87 = vector.load %arg6[%get3A_85, %get3A_86] : memref<128x128xbf16, #tpu.memory_space<vmem>>, vector<128x128xbf16>
    %dot_general3A = arith.constant dense<0.000000e+00> : vector<10000x128xf32>
    %dot_general3A_88 = tpu.matmul %get3A_84, %get3A_87, %dot_general3A {dimension_numbers = #tpu.dot_dimension_numbers<[1], [0], [0], [1], [0, 0, 1, 1], [], []>, transpose_lhs_hint = false} : vector<10000x128xbf16>, vector<128x128xbf16>, vector<10000x128xf32> -> vector<10000x128xf32>
    %swap3A_89 = arith.constant 0 : index
    %swap3A_90 = arith.constant 0 : index
    %swap3A_91 = vector.load %arg4[%swap3A_89, %swap3A_90] : memref<10000x128xf32, #tpu.memory_space<vmem>>, vector<10000x128xf32>
    tpu.vector_store %arg4[%swap3A_89, %swap3A_90], %dot_general3A_88 {strides = array<i32>} : memref<10000x128xf32, #tpu.memory_space<vmem>>, vector<10000x128xf32>,
    return
  }
  func.func @transform_0(%arg0: i32, %arg1: i32) -> (i32, i32) {
    %c0_i32 = arith.constant 0 : i32
    %c0_i32_0 = arith.constant 0 : i32
    return %arg0, %c0_i32 : i32, i32
  }
  func.func @transform_1(%arg0: i32, %arg1: i32) -> (i32, i32, i32, i32) {
    %c0_i32 = arith.constant 0 : i32
    %c0_i32_0 = arith.constant 0 : i32
    %c0_i32_1 = arith.constant 0 : i32
    %c0_i32_2 = arith.constant 0 : i32
    return %arg1, %c0_i32, %c0_i32_0, %c0_i32_1 : i32, i32, i32, i32
  }
  func.func @transform_2(%arg0: i32, %arg1: i32) -> (i32, i32) {
    %mul3A = arith.constant 1 : i32
    %mul3A_0 = arith.muli %arg1, %mul3A : i32
    %add3A = arith.addi %mul3A_0, %arg0 : i32
    %c0_i32 = arith.constant 0 : i32
    %c0_i32_1 = arith.constant 0 : i32
    return %add3A, %c0_i32 : i32, i32
  }
}

module attributes {stable_mosaic.version = 14 : i64} {
  func.func @_combine_body(%arg0: i32, %arg1: memref<2x10000x128xf32, #tpu.memory_space<vmem>>, %arg2: memref<10000x128xf32, #tpu.memory_space<vmem>>) attributes {dimension_semantics = [#tpu.dimension_semantics<arbitrary>], iteration_bounds = array<i64: 1>, scalar_prefetch = 0 : i64, scratch_operands = 0 : i64, tpu.core_type = #tpu.core_type<tc>, window_params = [{transform_indices = @transform_0, window_bounds = array<i64: 2, 10000, 128>}, {transform_indices = @transform_1, window_bounds = array<i64: 10000, 128>}]} {
    %get3A = arith.constant 0 : index
    %get3A_0 = arith.constant 0 : index
    %get3A_1 = arith.constant 0 : index
    %get3A_2 = vector.load %arg1[%get3A, %get3A_0, %get3A_1] : memref<2x10000x128xf32, #tpu.memory_space<vmem>>, vector<1x10000x128xf32>
    %get3A_3 = vector.shape_cast %get3A_2 : vector<1x10000x128xf32> to vector<10000x128xf32>
    %get3A_4 = arith.constant 1 : index
    %get3A_5 = arith.constant 0 : index
    %get3A_6 = arith.constant 0 : index
    %get3A_7 = vector.load %arg1[%get3A_4, %get3A_5, %get3A_6] : memref<2x10000x128xf32, #tpu.memory_space<vmem>>, vector<1x10000x128xf32>
    %get3A_8 = vector.shape_cast %get3A_7 : vector<1x10000x128xf32> to vector<10000x128xf32>
    %add3A = arith.addf %get3A_3, %get3A_8 : vector<10000x128xf32>
    %swap3A = arith.constant 0 : index
    %swap3A_9 = arith.constant 0 : index
    %swap3A_10 = vector.load %arg2[%swap3A, %swap3A_9] : memref<10000x128xf32, #tpu.memory_space<vmem>>, vector<10000x128xf32>
    tpu.vector_store %arg2[%swap3A, %swap3A_9], %add3A {strides = array<i32>} : memref<10000x128xf32, #tpu.memory_space<vmem>>, vector<10000x128xf32>,
    return
  }
  func.func @transform_0(%arg0: i32) -> (i32, i32, i32) {
    %c0_i32 = arith.constant 0 : i32
    %c0_i32_0 = arith.constant 0 : i32
    %c0_i32_1 = arith.constant 0 : i32
    return %c0_i32, %arg0, %c0_i32_0 : i32, i32, i32
  }
  func.func @transform_1(%arg0: i32) -> (i32, i32) {
    %c0_i32 = arith.constant 0 : i32
    %c0_i32_0 = arith.constant 0 : i32
    return %arg0, %c0_i32 : i32, i32
  }
}

</mosaic_0001>

<sc_bundles>
// kernel: kernel.5.cloned.1.call-start
scs
__scs_entry_jumppad:
0x0: {  	(pc) =	sbr.rel $0x88, $3  }
0x1: {  	(tag) =	ssettag $0x0;
	lr =	simm.s32 $0x1  }
0x2: {  	[smem:$0x3F9C] =	sst lr;
	_ =	strace $0xD0000000  }
0x3: {  	_ = 	snop  }
0x4: {  	_ = 	snop  }
0x5: {  	_ = 	snop  }
0x6: {  	_ = 	snop  }
0x7: {  	_ = 	snop  }
__scs_overlays_trampoline_lowered:
0x8: {  	[smem:$0x3FAB] =	sst s0  }
0x9: {  	[smem:$0x3FAC] =	sst s1  }
0xa: {  	[smem:$0x3FAD] =	sst s2  }
0xb: {  	[smem:$0x3FAE] =	sst s3  }
0xc: {  	[smem:$0x3FAF] =	sst s4  }
0xd: {  	[smem:$0x3FB0] =	sst s5  }
0xe: {  	[smem:$0x3FB1] =	sst s6  }
0xf: {  	[smem:$0x3FB2] =	sst s7  }
0x10: {  	[smem:$0x3FB3] =	sst s8  }
0x11: {  	[smem:$0x3FB4] =	sst s9;
	s0 =	simm.s32 @!p0 $0x0  }
0x12: {  	s1 =	sld [smem:$0x3F9A];
	s0 =	simm.s32 @p0 $0x1  }
0x13: {  	[smem:$0x3FB5] =	sst s0;
	s0 =	simm.s32 @!p1 $0x0  }
0x14: {  	s2 =	sld [smem:$0x3F99];
	s0 =	simm.s32 @p1 $0x1  }
0x15: {  	[smem:$0x3FB6] =	sst s0;
	s0 =	simm.s32 @!p2 $0x0  }
0x16: {  	s3 =	sld [smem:$0x3FDB];
	s0 =	simm.s32 @p2 $0x1  }
0x17: {  	s4 =	simm.s32 $0x1BF5;
	[smem:$0x3FB8] =	sst s0  }
0x18: {  	s0 =	sld [smem:$0x3F9B];
	_ =	swait.ge [sflag:s4], $0x0  }
0x19: {  	s7 =	sld [smem:$0x3F9C]  }
0x1a: {  	s8 =	sadd.s32 $0xFFFFE003, lr  }
0x1b: {  	s9 =	sadd.s32 $0xFFFFFEF7, lr;
	s5 =	simm.s32 $0xFFFFFFFF;
	p2 =	slt.u32 s8, $0xFFFFF086  }
0x1c: {  	p1 =	slt.u32 s9, $0xF7A;
	s5 =	simm.s32 @!p2 $0x0  }
0x1d: {  	s5 =	simm.s32 @p1 $0x1;
	p0 =	seq.s32 s7, s2  }
0x1e: {  	s7 =	smul.u32 @!p0 $0xF7A, s2;
	p2 =	seq.s32 @!p0 s5, $0x0  }
0x1f: {  	s9 =	smul.u32 $0xF7A, s1;
	s8 =	simm.s32 @!p0 $0x1BF5;
	p2 =	por !p2, p0  }
0x20: {  	[sflag:s8] =	ssyncset.s32 @!p0 $0xFFFFF086;
	s6 =	sadd.s32 @!p0 s3, s7;
	s7 =	simm.s32 @!p0 $0x108  }
0x21: {  	s3 =	sadd.s32 s3, s9;
	s6 =	sadd.s32 @!p0 $0x88, s6;
	s7 =	simm.s32 @p2 $0x1082  }
0x22: {  	[simem:s7], [sflag:s8] =	dma.local @!p0 [hbm:s6], $0xF7A  }
0x23: {  	s9 =	sor.u32 $0xD0000000, s2;
	s6 =	simm.s32 $0x108;
	_ =	swait.ge @!p0 [sflag:s8], $0x0  }
0x24: {  	s3 =	sadd.s32 $0x88, s3;
	s6 =	simm.s32 @!p1 $0x1082;
	[sflag:s4] =	ssyncset.s32 $0xFFFFF086  }
0x25: {  	[simem:s6], [sflag:s4] =	dma.local [hbm:s3], $0xF7A  }
0x26: {  	[smem:$0x3F9C] =	sst s1;
	(tag) =	ssettag s2;
	_ =	strace s9  }
0x27: {  	s1 =	sld [smem:$0x3FAC]  }
0x28: {  	s2 =	sld [smem:$0x3FAD]  }
0x29: {  	s4 =	sld [smem:$0x3FAF]  }
0x2a: {  	p0 =	seq.s32 s5, $0x0;
	s5 =	sld [smem:$0x3FB0]  }
0x2b: {  	s6 =	sld [smem:$0x3FB1]  }
0x2c: {  	s7 =	sld [smem:$0x3FB2]  }
0x2d: {  	s3 =	simm.s32 $0x108;
	s8 =	sld [smem:$0x3FB3]  }
0x2e: {  	s3 =	simm.s32 @!p0 $0x1082;
	s9 =	sld [smem:$0x3FB4]  }
0x2f: {  	lr =	sadd.s32 s0, s3;
	s0 =	sld [smem:$0x3FAB]  }
0x30: {  	s3 =	sld [smem:$0x3FAE]  }
0x31: {  	[smem:$0x3FB7] =	sst s10  }
0x32: {  	s10 =	sld [smem:$0x3FB5];
	_ =	sdelay $0x3  }
0x33: {  	p0 =	seq.s32 s10, $0x1;
	s10 =	sld [smem:$0x3FB7];
	_ =	sdelay $0x3  }
0x34: {  	[smem:$0x3FB7] =	sst s10  }
0x35: {  	s10 =	sld [smem:$0x3FB6];
	_ =	sdelay $0x3  }
0x36: {  	p1 =	seq.s32 s10, $0x1;
	s10 =	sld [smem:$0x3FB7];
	_ =	sdelay $0x3  }
0x37: {  	[smem:$0x3FB7] =	sst s10  }
0x38: {  	s10 =	sld [smem:$0x3FB8]  }
0x39: {  	_ = 	snop;
	(pc) =	sbr.ind lr, $3  }
0x3a: {  	_ = 	snop  }
0x3b: {  	_ = 	snop  }
0x3c: {  	p2 =	seq.s32 s10, $0x1;
	s10 =	sld [smem:$0x3FB7]  }
0x3d: {  	_ =	shalt  }
0x3e: {  	_ =	shalt  }
0x3f: {  	_ =	shalt  }
0x40: {  	_ =	shalt  }
0x41: {  	_ =	shalt  }
0x42: {  	_ =	shalt  }
0x43: {  	_ =	shalt  }
0x44: {  	_ =	shalt  }
0x45: {  	_ =	shalt  }
0x46: {  	_ =	shalt  }
0x47: {  	_ =	shalt  }
0x48: {  	_ =	shalt  }
0x49: {  	_ =	shalt  }
0x4a: {  	_ =	shalt  }
0x4b: {  	_ =	shalt  }
0x4c: {  	_ =	shalt  }
0x4d: {  	_ =	shalt  }
0x4e: {  	_ =	shalt  }
0x4f: {  	_ =	shalt  }
0x50: {  	_ =	shalt  }
0x51: {  	_ =	shalt  }
0x52: {  	_ =	shalt  }
0x53: {  	_ =	shalt  }
0x54: {  	_ =	shalt  }
0x55: {  	_ =	shalt  }
0x56: {  	_ =	shalt  }
0x57: {  	_ =	shalt  }
0x58: {  	_ =	shalt  }
0x59: {  	_ =	shalt  }
0x5a: {  	_ =	shalt  }
0x5b: {  	_ =	shalt  }
0x5c: {  	_ =	shalt  }
0x5d: {  	_ =	shalt  }
0x5e: {  	_ =	shalt  }
0x5f: {  	_ =	shalt  }
0x60: {  	_ =	shalt  }
0x61: {  	_ =	shalt  }
0x62: {  	_ =	shalt  }
0x63: {  	_ =	shalt  }
0x64: {  	_ =	shalt  }
0x65: {  	_ =	shalt  }
0x66: {  	_ =	shalt  }
0x67: {  	_ =	shalt  }
0x68: {  	_ =	shalt  }
0x69: {  	_ =	shalt  }
0x6a: {  	_ =	shalt  }
0x6b: {  	_ =	shalt  }
0x6c: {  	_ =	shalt  }
0x6d: {  	_ =	shalt  }
0x6e: {  	_ =	shalt  }
0x6f: {  	_ =	shalt  }
0x70: {  	_ =	shalt  }
0x71: {  	_ =	shalt  }
0x72: {  	_ =	shalt  }
0x73: {  	_ =	shalt  }
0x74: {  	_ =	shalt  }
0x75: {  	_ =	shalt  }
0x76: {  	_ =	shalt  }
0x77: {  	_ =	shalt  }
0x78: {  	_ =	shalt  }
0x79: {  	_ =	shalt  }
0x7a: {  	_ =	shalt  }
0x7b: {  	_ =	shalt  }
0x7c: {  	_ =	shalt  }
0x7d: {  	_ =	shalt  }
0x7e: {  	_ =	shalt  }
0x7f: {  	_ =	shalt  }
0x80: {  	_ =	shalt  }
0x81: {  	_ =	shalt  }
0x82: {  	_ =	shalt  }
0x83: {  	_ =	shalt  }
0x84: {  	_ =	shalt  }
0x85: {  	_ =	shalt  }
0x86: {  	_ =	shalt  }
0x87: {  	_ =	shalt  }
.Lfunc_end0:
.L_simem_size_0:
called_computation_lowered:
.L_overlay_start_0:
0x88: {  	s2 =	sld [smem:$0x3FD9]  }
0x89: {  	s3 =	sld [smem:$0x3FFE];
	_ =	sdelay $0x1  }
0x8a: {  	s1 =	srdreg.scid  }
0x8b: {  	s0 =	sand.u32 $0x1, s1  }
0x8c: {  	s17 =	sshll.u32 s0, $0xA;
	s2 =	sadd.s32 s3, s2  }
0x8d: {  	s2 =	sadd.s32 s2, s17  }
0x8e: {  	[smem:$0x3FC3] =	sst s2  }
0x8f: {  	_ = 	snop  }
0x90: {  	s2 =	sld [smem:$0x3FC7]  }
0x91: {  	s18 =	sld [smem:$0x3FD0];
	(tm) =	ssettm $0x1  }
0x92: {  	s4 =	sld [smem:$0x3FFB];
	_ =	sdelay $0x3  }
0x93: {  	_ =	strace s4  }
0x94: {  	s4 =	sld [smem:$0x3FFC];
	_ =	sdelay $0x3  }
0x95: {  	_ =	strace s4  }
0x96: {  	s4 =	sld [smem:$0x3FFD];
	_ =	sdelay $0x3  }
0x97: {  	_ =	strace s4  }
0x98: {  	_ =	strace $0x8FFFFFFF  }
0x99: {  	s19 =	sld [smem:$0x3FDB];
	_ =	sdelay $0x1  }
0x9a: {  	s5 =	simm.s32 $_scs_section_size  }
0x9b: {  	s6 =	simm.s32 $_size__tile_overlayer_lowered;
	s7 =	simm.s32 $_tile_overlayer_lowered  }
0x9c: {  	s22 =	simm.s32 $0x1BFF;
	s21 =	sshll.u32 s7, $0x1;
	s4 =	sadd.s32 s5, s19  }
0x9d: {  	s8 =	simm.s32 $0x0;
	s20 =	sshll.u32 s6, $0x1;
	s6 =	sadd.s32 s21, s4  }
0x9e: {  	[timem:s8], [sflag:s22] =	dma.local [hbm:s6], s20  }
0x9f: {  	_ =	swait.ge [sflag:s22], s20  }
0xa0: {  	s5 =	ssub.s32 $0x0, s20;
	[sflag:s22] =	ssyncset.done $0x0  }
0xa1: {  	[sflag:s22] =	ssyncadd.s32 s5;
	_ =	sdelay $0x1  }
0xa2: {  	s23 =	simm.s32 $0x1B8B  }
0xa3: {  	_ =	swait.ge [sflag:s23], $0x1  }
0xa4: {  	[sflag:s23] =	ssyncset.done $0x0  }
0xa5: {  	s25 =	simm.s32 $0x1B8E;
	s24 =	sld [smem:$0x3FFE];
	[sflag:s23] =	ssyncadd.s32 $0xFFFFFFFF  }
0xa6: {  	s26 =	simm.s32 $execute0_lowered;
	[smem:$0x3FD2] =	sst s25  }
0xa7: {  	s6 =	sshll.u32 s26, $0x1;
	_ =	strace $0x80000046;
	[dreg:$0x1] =	wrdreg $0xFFFFFFFF  }
0xa8: {  	s28 =	simm.s32 $_size_execute0_lowered;
	s4 =	sadd.s32 s4, s6;
	[dreg:$0x0] =	wrdreg $0x0  }
0xa9: {  	s6 =	sshll.u32 s28, $0x1;
	[dreg:$0x2] =	wrdreg s4  }
0xaa: {  	[dreg:$0x3] =	wrdreg s6  }
0xab: {  	[dreg:$0x4] =	wrdreg $0xC0  }
0xac: {  	_ =	task [dreg:s8], $0x5FFFF  }
0xad: {  	[dreg:$0x1] =	wrdreg $0xFFFFFFFF  }
0xae: {  	[dreg:$0x0] =	wrdreg $0x60  }
0xaf: {  	[dreg:$0x2] =	wrdreg s24  }
0xb0: {  	[dreg:$0x3] =	wrdreg s18  }
0xb1: {  	[dreg:$0x4] =	wrdreg s2  }
0xb2: {  	[dreg:$0x5] =	wrdreg $0xA1800  }
0xb3: {  	[dreg:$0x6] =	wrdreg $0x9  }
0xb4: {  	_ =	task.clear_ibuf [dreg:s8], $0x7FFFF;
	_ =	strace $0x90000046  }
0xb5: {  	s29 =	simm.s32 $0x9;
	_ =	strace $0x80000048  }
0xb6: {  	_ =	swait.ge [sflag:s29], $0x1  }
0xb7: {  	[sflag:s29] =	ssyncadd.s32 $0xFFFFFFFF  }
0xb8: {  	_ =	strace $0x90000048  }
0xb9: {  	_ =	sfence  }
0xba: {  	s30 =	sld [smem:$0x0];
	_ =	sdelay $0x2  }
0xbb: {  	s31 =	sshll.u32 s1, $0xD;
	s1 =	sshrl.u32 s1, $0x2  }
0xbc: {  	s3 =	sand.u32 $0x4000, s31;
	s1 =	sadd.s32 s1, s30  }
0xbd: {  	s0 =	sor.u32 s3, s0;
	s1 =	sshll.u32 s1, $0x11  }
0xbe: {  	s0 =	sor.u32 s1, s0  }
0xbf: {  	s0 =	sadd.s32 $0x8F2B, s0  }
0xc0: {  	[sflag:s0] =	ssyncadd.remote.s32 $0x1  }
0xc1: {  	_ =	sfence.sel $0xFFFF  }
0xc2: {  	[dreg:$0x0] =	wrdreg $0xFFFFFFFF;
	(pc) =	sbr.abs _section_cstart, $3  }
0xc3: {  	[dreg:$0x1] =	wrdreg $0xFFFFFFFF  }
0xc4: {  	_ =	task.clear_ibuf [dreg:s8], $0x2FFFF;
	_ =	strace $0x9FFFFFFF  }
0xc5: {  	(tm) =	ssettm $0x7FFFFFFF  }
tec
execute0_lowered:
.L_overlay_start_1:
0x0: {  	(tag) =	ssettag $0x1  }
0x1: {  	s0 =	rddreg [dreg:$0x0]  }
0x2: {  	s3 =	rddreg [dreg:$0x1]  }
0x3: {  	s1 =	rddreg [dreg:$0x2]  }
0x4: {  	s2 =	rddreg [dreg:$0x3]  }
0x5: {  	s4 =	srdreg.scid;
	s12 =	stileid.u32  }
0x6: {  	s29 =	simm.s32 $0x7980;
	s30 =	simm.s32 $0x4;
	s31 =	simm.s32 $0x1  }
0x7: {  	s28 =	simm.s32 $0x6;
	s6 =	sand.u32 $0x1, s4;
	s8 =	smul.u32 $0x1F400, s12  }
0x8: {  	s4 =	simm.s32 $0x0;
	s5 =	sadd.s32 $0x800, s0;
	s10 =	smul.u32 $0x7D000, s12  }
0x9: {  	s9 =	sadd.s32 $0x3AA000, s0;
	s19 =	smul.u32 $0x2710, s12;
	p0 =	sgt.u32 s12, $0x9  }
0xa: {  	s7 =	smul.u32 $0x138800, s6;
	[smem:$0x7FF] =	sst s4;
	s15 =	sshll.u32 s6, $0x4  }
0xb: {  	s16 =	ssub.s32 $0x2, s6;
	s6 =	smul.u32 $0x27100, s6;
	_ =	strace $0x80000047  }
0xc: {  	[dreg:$0x5] =	wrdreg s9;
	s11 =	sshrl.u32 s16, $0x1;
	s18 =	sshrl.u32 s10, $0x2  }
0xd: {  	s7 =	sadd.s32 s8, s7;
	s8 =	sor.u32 s12, s15;
	s17 =	ssub.s32 s16, s11  }
0xe: {  	s9 =	sadd.s32 s18, s2;
	s24 =	sadd.s32 s19, s6;
	s7 =	sshrl.u32 s7, $0x3  }
0xf: {  	s8 =	smul.u32 $0x2710, s8;
	s22 =	smax.u32 s17, $0x1;
	s26 =	sadd.s32 $0x190, s24  }
0x10: {  	s6 =	sadd.s32 $0x140, s24;
	s17 =	sadd.s32 $0xF0, s24;
	s19 =	sshrl.u32 @!p0 s9, $0x3  }
0x11: {  	s24 =	simm.s32 $0x2800;
	s0 =	sadd.s32 s7, s0;
	[dreg:$0xa] =	wrdreg s22  }
0x12: {  	s6 =	sshrl.u32 s6, $0x3;
	s22 =	simm.s32 $0x50;
	s7 =	simm.s32 $0x0  }
0x13: {  	s8 =	sshrl.u32 s8, $0x3;
	s0 =	sadd.s32 $0x3AE000, s0;
	s16 =	sadd.s32 s6, s1  }
0x14: {  	s3 =	sadd.s32 s3, s8;
	s8 =	sadd.s32 s1, s8;
	[dreg:$0x9] =	wrdreg s0  }
0x15: {  	s6 =	simm.s32 $0x3;
	[dreg:$0x6] =	wrdreg s3;
	s20 =	sadd.s32 $0xA, s8  }
0x16: {  	s0 =	simm.s32 $0x5;
	s21 =	sadd.s32 $0x14, s8;
	[dreg:$0x7] =	wrdreg s20  }
0x17: {  	s23 =	sadd.s32 $0x4CE, s8;
	s25 =	sadd.s32 $0x4D8, s8;
	[dreg:$0x8] =	wrdreg s21  }
0x18: {  	s3 =	sshrl.u32 s26, $0x3;
	s26 =	simm.s32 $0x2880;
	[dreg:$0xb] =	wrdreg s23  }
0x19: {  	[dreg:$0xc] =	wrdreg s25;
	s15 =	sadd.s32 s3, s1;
	s3 =	sshll.u32 @!p0 s12, $0x6  }
0x1a: {  	s20 =	simm.s32 $0x7;
	s21 =	simm.s32 $0x2780;
	s23 =	simm.s32 $0x2980  }
0x1b: {  	s25 =	simm.s32 $0x5180;
	s18 =	sor.u32 @!p0 $0x1C07, s3;
	s3 =	simm.s32 $0x2  }
.LBB2_1:
0x1c: {  	s9 =	rddreg [dreg:$0x5]  }
0x1d: {  	[spmem:s19], [sflag:s18] =	dma.local @!p0 [hbm:s9], $0x3E80  }
0x1e: {  	s9 =	simm.s32 @!p0 $0x7  }
0x1f: {  	_ =	swait.ge @!p0 [sflag:s9], $0x3E80  }
0x20: {  	[sflag:s9] =	ssyncset.done @!p0 $0x0  }
0x21: {  	s13 =	rddreg [dreg:$0x6];
	[sflag:s9] =	ssyncadd.s32 @!p0 $0xFFFFC180  }
0x22: {  	[tilespmem:s4], [sflag:$0x7] =	stream.linear.gather [hbm4b:s13+s4], $0x2710, $0x38;
	[tilespmem:$0x1DA00] =	vst v63  }
0x23: {  	_ =	swait.ge [sflag:s20], $0x2710  }
0x24: {  	[sflag:s20] =	ssyncset.done $0x0  }
0x25: {  	[sflag:s20] =	ssyncadd.s32 $0xFFFFD8F0  }
0x26: {  	[bflag:$0x0] =	sbarrier.arrive $0xFFFF  }
0x27: {  	[tilespmem:s21], [sflag:$0x4] =	stream.linear.gather [hbm4b:s8+s4], $0x50, $0x38;
	[tilespmem:$0x1DA00] =	vst v63  }
0x28: {  	_ = 	snop  }
0x29: {  	[tilespmem:s23], [sflag:$0x1] =	stream.indirect.gather [hbm4b:s5+s22], $0x80, s4, s22, $0xb8;
	[tilespmem:$0x1DA00] =	vst v63  }
0x2a: {  	s14 =	rddreg [dreg:$0x7]  }
0x2b: {  	[tilespmem:s24], [sflag:$0x5] =	stream.linear.gather [hbm4b:s14+s4], $0x50, $0x38;
	[tilespmem:$0x1DA00] =	vst v63  }
0x2c: {  	_ = 	snop  }
0x2d: {  	[tilespmem:s25], [sflag:$0x2] =	stream.indirect.gather [hbm4b:s5+s22], $0x80, s22, s22, $0xb8;
	[tilespmem:$0x1DA00] =	vst v63  }
0x2e: {  	s10 =	rddreg [dreg:$0x8]  }
0x2f: {  	[tilespmem:s26], [sflag:$0x6] =	stream.linear.gather [hbm4b:s10+s4], $0x50, $0x38;
	[tilespmem:$0x1DA00] =	vst v63  }
0x30: {  	s11 =	simm.s32 $0xA0  }
0x31: {  	[tilespmem:s29], [sflag:$0x3] =	stream.indirect.gather [hbm4b:s5+s22], $0x80, s11, s22, $0xb8;
	[tilespmem:$0x1DA00] =	vst v63  }
0x32: {  	_ =	swait.ge [sflag:s30], $0x50  }
0x33: {  	[sflag:s30] =	ssyncset.done $0x0  }
0x34: {  	[sflag:s30] =	ssyncadd.s32 $0xFFFFFFB0  }
0x35: {  	_ =	swait.ge [sflag:s31], $0x2800  }
0x36: {  	[sflag:s31] =	ssyncset.done $0x0  }
0x37: {  	[sflag:s31] =	ssyncadd.s32 $0xFFFFD800  }
0x38: {  	[spmem:s2] =	stream.indirect.scatter.add.f32 [tilespmem:s23], [sflag:$0x7], $0x80, s21, s22, $0xb8;
	[tilespmem:$0x1DA00] =	vst v63  }
0x39: {  	_ =	swait.ge [sflag:s20], $0x2800  }
0x3a: {  	s12 =	sshrl.u32 s17, $0x3;
	[sflag:s20] =	ssyncset.done $0x0  }
0x3b: {  	s9 =	sadd.s32 s1, s12;
	[sflag:s20] =	ssyncadd.s32 $0xFFFFD800  }
0x3c: {  	[tilespmem:s21], [sflag:$0x4] =	stream.linear.gather [hbm4b:s9+s4], $0x50, $0x38;
	[tilespmem:$0x1DA00] =	vst v63  }
0x3d: {  	s13 =	simm.s32 $0xF0  }
0x3e: {  	[tilespmem:s23], [sflag:$0x1] =	stream.indirect.gather [hbm4b:s5+s22], $0x80, s13, s22, $0xb8;
	[tilespmem:$0x1DA00] =	vst v63  }
0x3f: {  	_ =	swait.ge [sflag:s0], $0x50  }
0x40: {  	[sflag:s0] =	ssyncset.done $0x0  }
0x41: {  	[sflag:s0] =	ssyncadd.s32 $0xFFFFFFB0  }
0x42: {  	_ =	swait.ge [sflag:s3], $0x2800  }
0x43: {  	[sflag:s3] =	ssyncset.done $0x0  }
0x44: {  	[sflag:s3] =	ssyncadd.s32 $0xFFFFD800  }
0x45: {  	[spmem:s2] =	stream.indirect.scatter.add.f32 [tilespmem:s25], [sflag:$0x7], $0x80, s24, s22, $0xb8;
	[tilespmem:$0x1DA00] =	vst v63  }
0x46: {  	_ =	swait.ge [sflag:s20], $0x2800  }
0x47: {  	[sflag:s20] =	ssyncset.done $0x0  }
0x48: {  	[sflag:s20] =	ssyncadd.s32 $0xFFFFD800  }
0x49: {  	[tilespmem:s24], [sflag:$0x5] =	stream.linear.gather [hbm4b:s16+s4], $0x50, $0x38;
	[tilespmem:$0x1DA00] =	vst v63  }
0x4a: {  	s14 =	simm.s32 $0x140  }
0x4b: {  	[tilespmem:s25], [sflag:$0x2] =	stream.indirect.gather [hbm4b:s5+s22], $0x80, s14, s22, $0xb8;
	[tilespmem:$0x1DA00] =	vst v63  }
0x4c: {  	_ =	swait.ge [sflag:s28], $0x50  }
0x4d: {  	[sflag:s28] =	ssyncset.done $0x0  }
0x4e: {  	[sflag:s28] =	ssyncadd.s32 $0xFFFFFFB0  }
0x4f: {  	_ =	swait.ge [sflag:s6], $0x2800  }
0x50: {  	[sflag:s6] =	ssyncset.done $0x0  }
0x51: {  	[sflag:s6] =	ssyncadd.s32 $0xFFFFD800  }
0x52: {  	[spmem:s2] =	stream.indirect.scatter.add.f32 [tilespmem:s29], [sflag:$0x7], $0x80, s26, s22, $0xb8;
	[tilespmem:$0x1DA00] =	vst v63  }
0x53: {  	s12 =	sadd.s32 $0x1E, s16;
	_ =	swait.ge [sflag:s20], $0x2800  }
0x54: {  	s10 =	sadd.s32 $0xF0, s17;
	s11 =	sadd.s32 $0x1E, s15;
	[sflag:s20] =	ssyncset.done $0x0  }
0x55: {  	s9 =	simm.s32 $0x3C0;
	s13 =	simm.s32 $0x190;
	[sflag:s20] =	ssyncadd.s32 $0xFFFFD800  }
0x56: {  	[tilespmem:s26], [sflag:$0x6] =	stream.linear.gather [hbm4b:s15+s4], $0x50, $0x38;
	[tilespmem:$0x1DA00] =	vst v63  }
.LBB2_2:
0x57: {  	[tilespmem:s29], [sflag:$0x3] =	stream.indirect.gather [hbm4b:s5+s22], $0x80, s13, s22, $0xb8;
	[tilespmem:$0x1DA00] =	vst v63  }
0x58: {  	s13 =	smov.u32 s9  }
0x59: {  	p1 =	sne.s32 s9, $0x9240;
	s9 =	sadd.s32 $0x3C0, s9;
	_ =	swait.ge [sflag:s30], $0x50  }
0x5a: {  	[sflag:s30] =	ssyncset.done $0x0  }
0x5b: {  	[sflag:s30] =	ssyncadd.s32 $0xFFFFFFB0  }
0x5c: {  	_ =	swait.ge [sflag:s31], $0x2800  }
0x5d: {  	[sflag:s31] =	ssyncset.done $0x0  }
0x5e: {  	[sflag:s31] =	ssyncadd.s32 $0xFFFFD800  }
0x5f: {  	[spmem:s2] =	stream.indirect.scatter.add.f32 [tilespmem:s23], [sflag:$0x7], $0x80, s21, s22, $0xb8;
	[tilespmem:$0x1DA00] =	vst v63  }
0x60: {  	_ =	swait.ge [sflag:s20], $0x2800  }
0x61: {  	s14 =	sshrl.u32 s10, $0x3;
	[sflag:s20] =	ssyncset.done $0x0  }
0x62: {  	s14 =	sadd.s32 s1, s14;
	s13 =	sshra.s32 s13, $0x2;
	[sflag:s20] =	ssyncadd.s32 $0xFFFFD800  }
0x63: {  	[tilespmem:s21], [sflag:$0x4] =	stream.linear.gather [hbm4b:s14+s4], $0x50, $0x38;
	[tilespmem:$0x1DA00] =	vst v63  }
0x64: {  	s14 =	sadd.s32 $0xF0, s13  }
0x65: {  	[tilespmem:s23], [sflag:$0x1] =	stream.indirect.gather [hbm4b:s5+s22], $0x80, s14, s22, $0xb8;
	[tilespmem:$0x1DA00] =	vst v63  }
0x66: {  	_ =	swait.ge [sflag:s0], $0x50  }
0x67: {  	[sflag:s0] =	ssyncset.done $0x0  }
0x68: {  	[sflag:s0] =	ssyncadd.s32 $0xFFFFFFB0  }
0x69: {  	_ =	swait.ge [sflag:s3], $0x2800  }
0x6a: {  	[sflag:s3] =	ssyncset.done $0x0  }
0x6b: {  	[sflag:s3] =	ssyncadd.s32 $0xFFFFD800  }
0x6c: {  	[spmem:s2] =	stream.indirect.scatter.add.f32 [tilespmem:s25], [sflag:$0x7], $0x80, s24, s22, $0xb8;
	[tilespmem:$0x1DA00] =	vst v63  }
0x6d: {  	_ =	swait.ge [sflag:s20], $0x2800  }
0x6e: {  	[sflag:s20] =	ssyncset.done $0x0  }
0x6f: {  	[sflag:s20] =	ssyncadd.s32 $0xFFFFD800  }
0x70: {  	[tilespmem:s24], [sflag:$0x5] =	stream.linear.gather [hbm4b:s12+s4], $0x50, $0x38;
	[tilespmem:$0x1DA00] =	vst v63  }
0x71: {  	s14 =	sadd.s32 $0x140, s13  }
0x72: {  	[tilespmem:s25], [sflag:$0x2] =	stream.indirect.gather [hbm4b:s5+s22], $0x80, s14, s22, $0xb8;
	[tilespmem:$0x1DA00] =	vst v63  }
0x73: {  	_ =	swait.ge [sflag:s28], $0x50  }
0x74: {  	[sflag:s28] =	ssyncset.done $0x0  }
0x75: {  	[sflag:s28] =	ssyncadd.s32 $0xFFFFFFB0  }
0x76: {  	_ =	swait.ge [sflag:s6], $0x2800  }
0x77: {  	[sflag:s6] =	ssyncset.done $0x0  }
0x78: {  	[sflag:s6] =	ssyncadd.s32 $0xFFFFD800  }
0x79: {  	[spmem:s2] =	stream.indirect.scatter.add.f32 [tilespmem:s29], [sflag:$0x7], $0x80, s26, s22, $0xb8;
	[tilespmem:$0x1DA00] =	vst v63  }
.Ltmp0:
0x7a: {  	_ =	swait.ge [sflag:s20], $0x2800;
	(pc) =	sbr.rel @p1 .LBB2_2-.Ltmp0, $4  }
0x7b: {  	[sflag:s20] =	ssyncset.done $0x0  }
0x7c: {  	s10 =	sadd.s32 $0xF0, s10;
	[sflag:s20] =	ssyncadd.s32 $0xFFFFD800  }
0x7d: {  	[tilespmem:s26], [sflag:$0x6] =	stream.linear.gather [hbm4b:s11+s4], $0x50, $0x38;
	[tilespmem:$0x1DA00] =	vst v63  }
0x7e: {  	s13 =	sadd.s32 $0x190, s13;
	s12 =	sadd.s32 $0x1E, s12;
	s11 =	sadd.s32 $0x1E, s11  }
0x7f: {  	[tilespmem:s29], [sflag:$0x3] =	stream.indirect.gather [hbm4b:s5+s22], $0x80, s13, s22, $0xb8;
	[tilespmem:$0x1DA00] =	vst v63  }
0x80: {  	_ =	swait.ge [sflag:s30], $0x50  }
0x81: {  	[sflag:s30] =	ssyncset.done $0x0  }
0x82: {  	[sflag:s30] =	ssyncadd.s32 $0xFFFFFFB0  }
0x83: {  	_ =	swait.ge [sflag:s31], $0x2800  }
0x84: {  	[sflag:s31] =	ssyncset.done $0x0  }
0x85: {  	[sflag:s31] =	ssyncadd.s32 $0xFFFFD800  }
0x86: {  	[spmem:s2] =	stream.indirect.scatter.add.f32 [tilespmem:s23], [sflag:$0x7], $0x80, s21, s22, $0xb8;
	[tilespmem:$0x1DA00] =	vst v63  }
0x87: {  	_ =	swait.ge [sflag:s20], $0x2800  }
0x88: {  	[sflag:s20] =	ssyncset.done $0x0  }
0x89: {  	s9 =	rddreg [dreg:$0xb];
	[sflag:s20] =	ssyncadd.s32 $0xFFFFD800  }
0x8a: {  	[tilespmem:s21], [sflag:$0x4] =	stream.linear.gather [hbm4b:s9+s4], $0x50, $0x38;
	[tilespmem:$0x1DA00] =	vst v63  }
0x8b: {  	s12 =	simm.s32 $0x2670  }
0x8c: {  	[tilespmem:s23], [sflag:$0x1] =	stream.indirect.gather [hbm4b:s5+s22], $0x80, s12, s22, $0xb8;
	[tilespmem:$0x1DA00] =	vst v63  }
0x8d: {  	_ =	swait.ge [sflag:s0], $0x50  }
0x8e: {  	[sflag:s0] =	ssyncset.done $0x0  }
0x8f: {  	[sflag:s0] =	ssyncadd.s32 $0xFFFFFFB0  }
0x90: {  	_ =	swait.ge [sflag:s3], $0x2800  }
0x91: {  	[sflag:s3] =	ssyncset.done $0x0  }
0x92: {  	[sflag:s3] =	ssyncadd.s32 $0xFFFFD800  }
0x93: {  	[spmem:s2] =	stream.indirect.scatter.add.f32 [tilespmem:s25], [sflag:$0x7], $0x80, s24, s22, $0xb8;
	[tilespmem:$0x1DA00] =	vst v63  }
0x94: {  	_ =	swait.ge [sflag:s20], $0x2800  }
0x95: {  	[sflag:s20] =	ssyncset.done $0x0  }
0x96: {  	s13 =	rddreg [dreg:$0xc];
	[sflag:s20] =	ssyncadd.s32 $0xFFFFD800  }
0x97: {  	[tilespmem:s24], [sflag:$0x5] =	stream.linear.gather [hbm4b:s13+s4], $0x50, $0x38;
	[tilespmem:$0x1DA00] =	vst v63  }
0x98: {  	s14 =	simm.s32 $0x26C0  }
0x99: {  	[tilespmem:s25], [sflag:$0x2] =	stream.indirect.gather [hbm4b:s5+s22], $0x80, s14, s22, $0xb8;
	[tilespmem:$0x1DA00] =	vst v63  }
0x9a: {  	_ =	swait.ge [sflag:s28], $0x50  }
0x9b: {  	[sflag:s28] =	ssyncset.done $0x0  }
0x9c: {  	[sflag:s28] =	ssyncadd.s32 $0xFFFFFFB0  }
0x9d: {  	_ =	swait.ge [sflag:s6], $0x2800  }
0x9e: {  	[sflag:s6] =	ssyncset.done $0x0  }
0x9f: {  	[sflag:s6] =	ssyncadd.s32 $0xFFFFD800  }
0xa0: {  	[spmem:s2] =	stream.indirect.scatter.add.f32 [tilespmem:s29], [sflag:$0x7], $0x80, s26, s22, $0xb8;
	[tilespmem:$0x1DA00] =	vst v63  }
0xa1: {  	_ =	swait.ge [sflag:s20], $0x2800  }
0xa2: {  	[sflag:s20] =	ssyncset.done $0x0  }
0xa3: {  	[sflag:s20] =	ssyncadd.s32 $0xFFFFD800  }
0xa4: {  	_ =	swait.ge [sflag:s30], $0x50  }
0xa5: {  	[sflag:s30] =	ssyncset.done $0x0  }
0xa6: {  	[sflag:s30] =	ssyncadd.s32 $0xFFFFFFB0  }
0xa7: {  	_ =	swait.ge [sflag:s31], $0x2800  }
0xa8: {  	[sflag:s31] =	ssyncset.done $0x0  }
0xa9: {  	[sflag:s31] =	ssyncadd.s32 $0xFFFFD800  }
0xaa: {  	[spmem:s2] =	stream.indirect.scatter.add.f32 [tilespmem:s23], [sflag:$0x7], $0x80, s21, s22, $0xb8;
	[tilespmem:$0x1DA00] =	vst v63  }
0xab: {  	_ =	swait.ge [sflag:s20], $0x2800  }
0xac: {  	[sflag:s20] =	ssyncset.done $0x0  }
0xad: {  	[sflag:s20] =	ssyncadd.s32 $0xFFFFD800  }
0xae: {  	_ =	swait.ge [sflag:s0], $0x50  }
0xaf: {  	[sflag:s0] =	ssyncset.done $0x0  }
0xb0: {  	[sflag:s0] =	ssyncadd.s32 $0xFFFFFFB0  }
0xb1: {  	_ =	swait.ge [sflag:s3], $0x2800  }
0xb2: {  	[sflag:s3] =	ssyncset.done $0x0  }
0xb3: {  	[sflag:s3] =	ssyncadd.s32 $0xFFFFD800  }
0xb4: {  	[spmem:s2] =	stream.indirect.scatter.add.f32 [tilespmem:s25], [sflag:$0x7], $0x80, s24, s22, $0xb8;
	[tilespmem:$0x1DA00] =	vst v63  }
0xb5: {  	_ =	swait.ge [sflag:s20], $0x2800  }
0xb6: {  	[sflag:s20] =	ssyncset.done $0x0  }
0xb7: {  	[sflag:s20] =	ssyncadd.s32 $0xFFFFD800  }
0xb8: {  	[bflag:$0x0] =	sbarrier.arrive $0xFFFF  }
0xb9: {  	s9 =	rddreg [dreg:$0x9]  }
0xba: {  	[hbm:s9], [sflag:s18] =	dma.local @!p0 [spmem:s19], $0x3E80  }
0xbb: {  	s9 =	simm.s32 @!p0 $0x7  }
0xbc: {  	_ =	swait.ge @!p0 [sflag:s9], $0x3E80  }
0xbd: {  	s7 =	sadd.s32 $0x1, s7;
	s10 =	rddreg [dreg:$0xa]  }
0xbe: {  	p1 =	sne.s32 s7, s10  }
.Ltmp1:
0xbf: {  	_ = 	snop;
	(pc) =	sbr.rel @p1 .LBB2_1-.Ltmp1, $3  }
0xc0: {  	_ =	sdelay $0x1  }
0xc1: {  	[sflag:s9] =	ssyncset.done @!p0 $0x0  }
0xc2: {  	[sflag:s9] =	ssyncadd.s32 @!p0 $0xFFFFC180  }
0xc3: {  	_ =	sfence.sel $0x180000  }
0xc4: {  	[bflag:$0x0] =	sbarrier.arrive $0xFFFF  }
0xc5: {  	_ =	strace $0x90000047  }
0xc6: {  	s0 =	stileid.u32;
	[bflag:$0x2] =	sbarrier.arrive $0xFFFF  }
0xc7: {  	p0 =	sne.s32 s0, $0x0;
	s0 =	rddreg [dreg:$0x4]  }
0xc8: {  	s0 =	sadd.s32 @!p0 $0x100000, s0  }
0xc9: {  	[sflag:s0] =	ssyncadd.tile.s32 @!p0 $0x1;
	_ =	shalt  }
.Lfunc_end2:
_tile_overlayer_lowered:
.L_overlay_start_2:
0xca: {  	(tag) =	ssettag $0x2  }
0xcb: {  	s0 =	rddreg [dreg:$0x0];
	s2 =	stileid.u32  }
0xcc: {  	s1 =	rddreg [dreg:$0x1];
	p0 =	sne.s32 s2, $0x0  }
0xcd: {  	s3 =	rddreg [dreg:$0x2];
	[bflag:$0x3] =	sbarrier.arrive $0xFFFF;
	s2 =	simm.s32 @!p0 $0x1C07  }
0xce: {  	[timem:s3], [sflag:s2] =	dma.local @!p0 [hbm:s0], s1  }
0xcf: {  	s0 =	simm.s32 @!p0 $0x7  }
0xd0: {  	_ =	swait.ge @!p0 [sflag:s0], s1  }
0xd1: {  	s1 =	ssub.s32 @!p0 $0x0, s1;
	[sflag:s0] =	ssyncset.done @!p0 $0x0  }
0xd2: {  	[sflag:s0] =	ssyncadd.s32 @!p0 s1  }
0xd3: {  	[bflag:$0x3] =	sbarrier.arrive $0xFFFF  }
0xd4: {  	_ =	shalt  }

</sc_bundles>
